<compile_context>
chip_gen: v7x
topology: tpu7x:2x2x1
jax: 0.10.2.dev20260603
libtpu: 0.0.44.dev20260713+nightly
codegen_flags: <defaults>
</compile_context>

<pallas_src>
import functools

import jax
import jax.numpy as jnp
from jax import lax
from jax.experimental import pallas as pl
from jax.experimental.pallas import tpu as pltpu
from jax.experimental.pallas import tpu_sc as plsc

H = 1024
MOE_I = 512
E = 64
N_GROUP = 8
GROUP_SIZE = E // N_GROUP
TOPK_GROUP = 4
SCALE = 2.5

R = 256
RT = 256

_SC_NC = 2
_SC_NS = 16
_SC_NW = _SC_NC * _SC_NS


def _sc_worker_base(bpw):
    wid = lax.axis_index("s") * _SC_NC + lax.axis_index("c")
    return wid * bpw


def _sc_gather_body(bpw, table_hbm, idx_hbm, out_hbm, idx_v, rows_v, sem):
    base = _sc_worker_base(bpw)
    pltpu.sync_copy(idx_hbm.at[pl.ds(base, bpw)], idx_v)
    pltpu.async_copy(table_hbm.at[idx_v], rows_v, sem).wait()
    pltpu.sync_copy(rows_v, out_hbm.at[pl.ds(base, bpw)])


def _sc_scatter_body(bpw, rows_hbm, idx_hbm, out_hbm, idx_v, rows_v, sem):
    base = _sc_worker_base(bpw)
    pltpu.sync_copy(idx_hbm.at[pl.ds(base, bpw)], idx_v)
    pltpu.sync_copy(rows_hbm.at[pl.ds(base, bpw)], rows_v)
    pltpu.async_copy(rows_v, out_hbm.at[idx_v], sem).wait()


def _sc_permute(table, idx, scatter):
    n, d = table.shape
    bpw = n // _SC_NW
    body = functools.partial(_sc_scatter_body if scatter else _sc_gather_body,
                             bpw)
    mesh = plsc.VectorSubcoreMesh(core_axis_name="c", subcore_axis_name="s")
    return pl.kernel(
        body,
        mesh=mesh,
        out_type=jax.ShapeDtypeStruct((n, d), table.dtype),
        scratch_types=[
            pltpu.VMEM((bpw,), jnp.int32),
            pltpu.VMEM((bpw, d), table.dtype),
            pltpu.SemaphoreType.DMA,
        ],
    )(table, idx)


def _router_body(hs_ref, rw_ref, eid_ref, w_ref):
    x = hs_ref[...]
    rw = rw_ref[...]
    logits = lax.dot_general(x, rw, (((1,), (1,)), ((), ())),
                             preferred_element_type=jnp.float32)
    s = jax.nn.sigmoid(logits)
    T = s.shape[0]

    s3 = s.reshape(T, N_GROUP, GROUP_SIZE)
    io3 = lax.broadcasted_iota(jnp.int32, (T, N_GROUP, GROUP_SIZE), 2)
    m1 = jnp.max(s3, axis=2, keepdims=True)
    p1 = jnp.min(jnp.where(s3 == m1, io3, GROUP_SIZE), axis=2,
                 keepdims=True)
    s3b = jnp.where(io3 == p1, -jnp.inf, s3)
    m2 = jnp.max(s3b, axis=2, keepdims=True)
    gsc = (m1 + m2)[:, :, 0]

    iota_ng = lax.broadcasted_iota(jnp.int32, (T, N_GROUP), 1)
    sel = jnp.zeros((T, N_GROUP), jnp.float32)
    cur = gsc
    for _ in range(TOPK_GROUP):
        m = jnp.max(cur, axis=1, keepdims=True)
        p = jnp.min(jnp.where(cur == m, iota_ng, N_GROUP), axis=1,
                    keepdims=True)
        hit = iota_ng == p
        sel = jnp.where(hit, 1.0, sel)
        cur = jnp.where(hit, -jnp.inf, cur)

    masked = (s3 * sel[:, :, None]).reshape(T, E)
    iota_e = lax.broadcasted_iota(jnp.int32, (T, E), 1)
    m = jnp.max(masked, axis=1, keepdims=True)
    pos = jnp.min(jnp.where(masked == m, iota_e, E), axis=1, keepdims=True)
    wraw = jnp.sum(jnp.where(iota_e == pos, s, 0.0), axis=1, keepdims=True)
    wn = wraw / (wraw + 1e-20) * SCALE
    eid_ref[...] = pos
    w_ref[...] = wn


def _moe_body(ti, ei, fi, vi, x_ref, g_ref, u_ref, d_ref, eid_ref, sw_ref,
              out_ref):
    i = pl.program_id(0)
    e = ei[i]
    x = x_ref[...].astype(jnp.bfloat16)
    g = g_ref[0].astype(jnp.bfloat16)
    u = u_ref[0].astype(jnp.bfloat16)
    d = d_ref[0].astype(jnp.bfloat16)
    h1 = lax.dot_general(x, g, (((1,), (1,)), ((), ())),
                         preferred_element_type=jnp.float32)
    h2 = lax.dot_general(x, u, (((1,), (1,)), ((), ())),
                         preferred_element_type=jnp.float32)
    act = (h1 * jax.nn.sigmoid(h1) * h2).astype(jnp.bfloat16)
    part = lax.dot_general(act, d, (((1,), (1,)), ((), ())),
                           preferred_element_type=jnp.float32)
    match = jnp.logical_and(eid_ref[...] == e, vi[i] == 1)
    wcol = jnp.where(match, sw_ref[...], 0.0)

    @pl.when(fi[i] == 1)
    def _():
        out_ref[...] = jnp.zeros_like(out_ref)

    out_ref[...] += part * wcol


def _shared_body(x_ref, g_ref, u_ref, d_ref, m_ref, out_ref):
    x = x_ref[...].astype(jnp.bfloat16)
    h1 = lax.dot_general(x, g_ref[...].astype(jnp.bfloat16),
                         (((1,), (1,)), ((), ())),
                         preferred_element_type=jnp.float32)
    h2 = lax.dot_general(x, u_ref[...].astype(jnp.bfloat16),
                         (((1,), (1,)), ((), ())),
                         preferred_element_type=jnp.float32)
    act = (h1 * jax.nn.sigmoid(h1) * h2).astype(jnp.bfloat16)
    out = lax.dot_general(act, d_ref[...].astype(jnp.bfloat16),
                          (((1,), (1,)), ((), ())),
                          preferred_element_type=jnp.float32)
    out_ref[...] = out + m_ref[...]


def kernel(hidden_states, router_w, gate_w, up_w, down_w, sh_gate_w,
           sh_up_w, sh_down_w):
    orig_shape = hidden_states.shape
    hs = hidden_states.reshape(-1, H)
    T = hs.shape[0]

    eid2, w2 = pl.pallas_call(
        _router_body,
        out_shape=[jax.ShapeDtypeStruct((T, 1), jnp.int32),
                   jax.ShapeDtypeStruct((T, 1), jnp.float32)],
    )(hs, router_w)
    eid = eid2[:, 0]
    wtok = w2[:, 0]

    perm = jnp.argsort(eid).astype(jnp.int32)
    sorted_eid = eid[perm]
    sw = wtok[perm]
    hs_sorted = _sc_permute(hs, perm, scatter=False)

    NT = T // R
    e_lo = sorted_eid[::R]
    e_hi = sorted_eid[R - 1::R]
    cnt = e_hi - e_lo + 1
    cum = jnp.concatenate([jnp.zeros(1, cnt.dtype), jnp.cumsum(cnt)])
    total = cum[NT]
    W = NT + E
    i_arr = jnp.arange(W)
    r_i = jnp.sum((cum[None, :] <= i_arr[:, None]).astype(jnp.int32),
                  axis=1) - 1
    valid = i_arr < total
    r_c = jnp.minimum(r_i, NT - 1).astype(jnp.int32)
    e_raw = e_lo[r_c] + (i_arr - cum[r_c])
    e_i = jnp.where(valid, jnp.clip(e_raw, 0, E - 1),
                    sorted_eid[T - 1]).astype(jnp.int32)
    t_i = jnp.where(valid, r_c, NT - 1).astype(jnp.int32)
    first_i = jnp.logical_and(valid, i_arr == cum[r_c]).astype(jnp.int32)
    valid_i = valid.astype(jnp.int32)

    eid_2d = sorted_eid.reshape(T, 1)
    sw_2d = sw.reshape(T, 1)

    grid_spec = pltpu.PrefetchScalarGridSpec(
        num_scalar_prefetch=4,
        grid=(W,),
        in_specs=[
            pl.BlockSpec((R, H), lambda i, ti, ei, fi, vi: (ti[i], 0)),
            pl.BlockSpec((1, MOE_I, H),
                         lambda i, ti, ei, fi, vi: (ei[i], 0, 0)),
            pl.BlockSpec((1, MOE_I, H),
                         lambda i, ti, ei, fi, vi: (ei[i], 0, 0)),
            pl.BlockSpec((1, H, MOE_I),
                         lambda i, ti, ei, fi, vi: (ei[i], 0, 0)),
            pl.BlockSpec((R, 1), lambda i, ti, ei, fi, vi: (ti[i], 0)),
            pl.BlockSpec((R, 1), lambda i, ti, ei, fi, vi: (ti[i], 0)),
        ],
        out_specs=pl.BlockSpec((R, H), lambda i, ti, ei, fi, vi: (ti[i], 0)),
    )
    out_sorted = pl.pallas_call(
        _moe_body,
        grid_spec=grid_spec,
        out_shape=jax.ShapeDtypeStruct((T, H), jnp.float32),
        compiler_params=pltpu.CompilerParams(
            dimension_semantics=("arbitrary",)),
    )(t_i, e_i, first_i, valid_i, hs_sorted, gate_w, up_w, down_w,
      eid_2d, sw_2d)

    NT2 = T // RT
    I2 = sh_gate_w.shape[0]
    final_sorted = pl.pallas_call(
        _shared_body,
        grid=(NT2,),
        in_specs=[
            pl.BlockSpec((RT, H), lambda i: (i, 0)),
            pl.BlockSpec((I2, H), lambda i: (0, 0)),
            pl.BlockSpec((I2, H), lambda i: (0, 0)),
            pl.BlockSpec((H, I2), lambda i: (0, 0)),
            pl.BlockSpec((RT, H), lambda i: (i, 0)),
        ],
        out_specs=pl.BlockSpec((RT, H), lambda i: (i, 0)),
        out_shape=jax.ShapeDtypeStruct((T, H), jnp.float32),
    )(hs_sorted, sh_gate_w, sh_up_w, sh_down_w, out_sorted)

    final = _sc_permute(final_sorted, perm, scatter=True)

    return final.reshape(orig_shape)

# --- scband reference (transcript-rebuilt; emitter-appended) ---
"""Pipeline reference for scband-utuv1-mo-e-20641612824696 (READ-ONLY COPY).

The authoritative reference and input builder live on the scoring server;
editing this copy changes nothing except your own understanding.
"""

import jax, jax.numpy as jnp
import numpy as np

H = 1024
MOE_I = 512
E = 64
TOP_K = 1
N_GROUP = 8
TOPK_GROUP = 4
SCALE = 2.5
N_SHARED = 2
B = 1
S = 2048


def _mlp(x, gw, uw, dw):
    return (jax.nn.silu(x @ gw.T) * (x @ uw.T)) @ dw.T


def _get_topk_indices(scores):
    T = scores.shape[0]
    scores_for_choice = scores  # e_score_correction_bias buffer is zeros
    group_scores = jax.lax.top_k(scores_for_choice.reshape(T, N_GROUP, E // N_GROUP), 2)[0].sum(axis=-1)
    _, group_idx = jax.lax.top_k(group_scores, TOPK_GROUP)
    group_mask = jnp.zeros_like(group_scores).at[jnp.arange(T)[:, None], group_idx].set(1.0)
    score_mask = jnp.broadcast_to(group_mask[:, :, None], (T, N_GROUP, E // N_GROUP)).reshape(T, E)
    masked = jnp.where(score_mask.astype(bool), scores_for_choice, 0.0)
    _, topk_idx = jax.lax.top_k(masked, TOP_K)
    return topk_idx


def _router(hs, router_w):
    logits = hs.astype(jnp.float32) @ router_w.astype(jnp.float32).T
    scores = jax.nn.sigmoid(logits)
    topk_idx = _get_topk_indices(scores)
    topk_w = jnp.take_along_axis(scores, topk_idx, axis=1)
    topk_w = topk_w / (topk_w.sum(axis=-1, keepdims=True) + 1e-20)  # norm_topk_prob
    topk_w = topk_w * SCALE
    return topk_idx, topk_w


def setup_inputs(seed: int = 0):
    key = jax.random.key(seed)
    ks = jax.random.split(key, 8)
    s = 0.02
    return {
        "hidden_states": jax.random.normal(ks[0], (B, S, H), jnp.float32),
        "router_w": jax.random.normal(ks[1], (E, H), jnp.float32) * s,
        "gate_w": jax.random.normal(ks[2], (E, MOE_I, H), jnp.float32) * s,
        "up_w": jax.random.normal(ks[3], (E, MOE_I, H), jnp.float32) * s,
        "down_w": jax.random.normal(ks[4], (E, H, MOE_I), jnp.float32) * s,
        "sh_gate_w": jax.random.normal(ks[5], (MOE_I * N_SHARED, H), jnp.float32) * s,
        "sh_up_w": jax.random.normal(ks[6], (MOE_I * N_SHARED, H), jnp.float32) * s,
        "sh_down_w": jax.random.normal(ks[7], (H, MOE_I * N_SHARED), jnp.float32) * s,
    }


def reference(hidden_states, router_w, gate_w, up_w, down_w, sh_gate_w, sh_up_w, sh_down_w):
    residuals = hidden_states
    orig_shape = hidden_states.shape
    hs = hidden_states.reshape(-1, H)
    topk_idx, topk_w = _router(hs, router_w)
    final = jnp.zeros_like(hs)

    def body(final, xs):
        e, gw, uw, dw = xs
        mask = topk_idx == e
        w = jnp.sum(jnp.where(mask, topk_w, 0.0), axis=1)
        out = _mlp(hs, gw, uw, dw)
        return final + out * w[:, None], None

    n_experts = gate_w.shape[0]
    final, _ = jax.lax.scan(
        body, final, (jnp.arange(n_experts), gate_w, up_w, down_w)
    )
    shared = _mlp(residuals.reshape(-1, H), sh_gate_w, sh_up_w, sh_down_w).reshape(orig_shape)
    return final.reshape(orig_shape) + shared

if __name__ == "__main__":
    import jax
    _d = setup_inputs()
    print(jax.jit(kernel)(*tuple(_d.values())))

</pallas_src>

<mosaic_0001>
#map = affine_map<(d0, d1) -> (0, 0)>
#map1 = affine_map<(d0, d1) -> (0)>
module attributes {stable_mosaic.version = 14 : i64} {
  func.func @_sc_scatter_body(%arg0: i32, %arg1: i32, %arg2: memref<2048x1024xf32, #tpu.memory_space<hbm>>, %arg3: memref<2048xi32, #tpu.memory_space<hbm>>, %arg4: memref<2048x1024xf32, #tpu.memory_space<hbm>>, %arg5: memref<64xi32, #tpu.memory_space<vmem>>, %arg6: memref<64x1024xf32, #tpu.memory_space<vmem>>, %arg7: memref<!tpu.dma_semaphore, #tpu.memory_space<semaphore_mem>>) attributes {dimension_semantics = [#tpu.dimension_semantics<core_parallel>, #tpu.dimension_semantics<subcore_parallel>], iteration_bounds = array<i64: 2, 16>, scalar_prefetch = 0 : i64, scratch_operands = 3 : i64, tpu.core_type = #tpu.core_type<sc_vector_subcore>, window_params = [{transform_indices = #map}, {transform_indices = #map1}, {transform_indices = #map}]} {
    %mul3A = arith.constant 2 : i32
    %mul3A_0 = arith.muli %arg1, %mul3A : i32
    %add3A = arith.addi %mul3A_0, %arg0 : i32
    %mul3A_1 = arith.constant 64 : i32
    %mul3A_2 = arith.muli %add3A, %mul3A_1 : i32
    "tpu.region"() ({
      %run_scoped3A = tpu.sem_alloc : memref<!tpu.dma_semaphore, #tpu.memory_space<semaphore_mem>>
      %dma_start3A_7 = tpu.memref_slice %arg3[%mul3A_2] : memref<2048xi32, #tpu.memory_space<hbm>> -> memref<64xi32, #tpu.memory_space<hbm>>
      %dma_start3A_8 = tpu.memref_slice %arg3[%mul3A_2] : memref<2048xi32, #tpu.memory_space<hbm>> -> memref<64xi32, #tpu.memory_space<hbm>>
      tpu.enqueue_dma source(%dma_start3A_8 : memref<64xi32, #tpu.memory_space<hbm>>) target(%arg5 : memref<64xi32, #tpu.memory_space<vmem>>) target_semaphore(%run_scoped3A : memref<!tpu.dma_semaphore, #tpu.memory_space<semaphore_mem>>)
      %dma_wait3A_9 = tpu.memref_slice %arg3[%mul3A_2] : memref<2048xi32, #tpu.memory_space<hbm>> -> memref<64xi32, #tpu.memory_space<hbm>>
      %dma_wait3A_10 = tpu.memref_slice %arg3[%mul3A_2] : memref<2048xi32, #tpu.memory_space<hbm>> -> memref<64xi32, #tpu.memory_space<hbm>>
      tpu.wait_dma2 semaphore(%run_scoped3A : memref<!tpu.dma_semaphore, #tpu.memory_space<semaphore_mem>>) src(%dma_wait3A_10 : memref<64xi32, #tpu.memory_space<hbm>>) dst(%arg5 : memref<64xi32, #tpu.memory_space<vmem>>)
      tpu.yield
    }) : () -> ()
    "tpu.region"() ({
      %run_scoped3A = tpu.sem_alloc : memref<!tpu.dma_semaphore, #tpu.memory_space<semaphore_mem>>
      %dma_start3A_7 = arith.constant 0 : i32
      %dma_start3A_8 = tpu.memref_slice %arg2[%mul3A_2, %dma_start3A_7] : memref<2048x1024xf32, #tpu.memory_space<hbm>> -> memref<64x1024xf32, #tpu.memory_space<hbm>>
      %dma_start3A_9 = arith.constant 0 : i32
      %dma_start3A_10 = tpu.memref_slice %arg2[%mul3A_2, %dma_start3A_9] : memref<2048x1024xf32, #tpu.memory_space<hbm>> -> memref<64x1024xf32, #tpu.memory_space<hbm>>
      tpu.enqueue_dma source(%dma_start3A_10 : memref<64x1024xf32, #tpu.memory_space<hbm>>) target(%arg6 : memref<64x1024xf32, #tpu.memory_space<vmem>>) target_semaphore(%run_scoped3A : memref<!tpu.dma_semaphore, #tpu.memory_space<semaphore_mem>>)
      %dma_wait3A_11 = arith.constant 0 : i32
      %dma_wait3A_12 = tpu.memref_slice %arg2[%mul3A_2, %dma_wait3A_11] : memref<2048x1024xf32, #tpu.memory_space<hbm>> -> memref<64x1024xf32, #tpu.memory_space<hbm>>
      %dma_wait3A_13 = arith.constant 0 : i32
      %dma_wait3A_14 = tpu.memref_slice %arg2[%mul3A_2, %dma_wait3A_13] : memref<2048x1024xf32, #tpu.memory_space<hbm>> -> memref<64x1024xf32, #tpu.memory_space<hbm>>
      tpu.wait_dma2 semaphore(%run_scoped3A : memref<!tpu.dma_semaphore, #tpu.memory_space<semaphore_mem>>) src(%dma_wait3A_14 : memref<64x1024xf32, #tpu.memory_space<hbm>>) dst(%arg6 : memref<64x1024xf32, #tpu.memory_space<vmem>>)
      tpu.yield
    }) : () -> ()
    %dma_start3A = arith.constant 0 : i32
    %dma_start3A_3 = arith.constant 0 : i32
    %dma_start3A_4 = tpu.memref_slice %arg4[%dma_start3A, %dma_start3A_3] : memref<2048x1024xf32, #tpu.memory_space<hbm>> -> memref<2048x1024xf32, #tpu.memory_space<hbm>>
    tpu.enqueue_indirect_dma source(%arg6 : memref<64x1024xf32, #tpu.memory_space<vmem>>) target(%dma_start3A_4 : memref<2048x1024xf32, #tpu.memory_space<hbm>>) offsets(%arg5 : memref<64xi32, #tpu.memory_space<vmem>>) semaphore(%arg7 : memref<!tpu.dma_semaphore, #tpu.memory_space<semaphore_mem>>)
    %dma_wait3A = arith.constant 0 : i32
    %dma_wait3A_5 = arith.constant 0 : i32
    %dma_wait3A_6 = tpu.memref_slice %arg4[%dma_wait3A, %dma_wait3A_5] : memref<2048x1024xf32, #tpu.memory_space<hbm>> -> memref<2048x1024xf32, #tpu.memory_space<hbm>>
    tpu.wait_indirect_dma semaphore(%arg7 : memref<!tpu.dma_semaphore, #tpu.memory_space<semaphore_mem>>) src(%arg6 : memref<64x1024xf32, #tpu.memory_space<vmem>>) dst(%dma_wait3A_6 : memref<2048x1024xf32, #tpu.memory_space<hbm>>)
    return
  }
}

#map = affine_map<(d0, d1) -> (0, 0)>
#map1 = affine_map<(d0, d1) -> (0)>
module attributes {stable_mosaic.version = 14 : i64} {
  func.func @_sc_gather_body(%arg0: i32, %arg1: i32, %arg2: memref<2048x1024xf32, #tpu.memory_space<hbm>>, %arg3: memref<2048xi32, #tpu.memory_space<hbm>>, %arg4: memref<2048x1024xf32, #tpu.memory_space<hbm>>, %arg5: memref<64xi32, #tpu.memory_space<vmem>>, %arg6: memref<64x1024xf32, #tpu.memory_space<vmem>>, %arg7: memref<!tpu.dma_semaphore, #tpu.memory_space<semaphore_mem>>) attributes {dimension_semantics = [#tpu.dimension_semantics<core_parallel>, #tpu.dimension_semantics<subcore_parallel>], iteration_bounds = array<i64: 2, 16>, scalar_prefetch = 0 : i64, scratch_operands = 3 : i64, tpu.core_type = #tpu.core_type<sc_vector_subcore>, window_params = [{transform_indices = #map}, {transform_indices = #map1}, {transform_indices = #map}]} {
    %mul3A = arith.constant 2 : i32
    %mul3A_0 = arith.muli %arg1, %mul3A : i32
    %add3A = arith.addi %mul3A_0, %arg0 : i32
    %mul3A_1 = arith.constant 64 : i32
    %mul3A_2 = arith.muli %add3A, %mul3A_1 : i32
    "tpu.region"() ({
      %run_scoped3A = tpu.sem_alloc : memref<!tpu.dma_semaphore, #tpu.memory_space<semaphore_mem>>
      %dma_start3A_7 = tpu.memref_slice %arg3[%mul3A_2] : memref<2048xi32, #tpu.memory_space<hbm>> -> memref<64xi32, #tpu.memory_space<hbm>>
      %dma_start3A_8 = tpu.memref_slice %arg3[%mul3A_2] : memref<2048xi32, #tpu.memory_space<hbm>> -> memref<64xi32, #tpu.memory_space<hbm>>
      tpu.enqueue_dma source(%dma_start3A_8 : memref<64xi32, #tpu.memory_space<hbm>>) target(%arg5 : memref<64xi32, #tpu.memory_space<vmem>>) target_semaphore(%run_scoped3A : memref<!tpu.dma_semaphore, #tpu.memory_space<semaphore_mem>>)
      %dma_wait3A_9 = tpu.memref_slice %arg3[%mul3A_2] : memref<2048xi32, #tpu.memory_space<hbm>> -> memref<64xi32, #tpu.memory_space<hbm>>
      %dma_wait3A_10 = tpu.memref_slice %arg3[%mul3A_2] : memref<2048xi32, #tpu.memory_space<hbm>> -> memref<64xi32, #tpu.memory_space<hbm>>
      tpu.wait_dma2 semaphore(%run_scoped3A : memref<!tpu.dma_semaphore, #tpu.memory_space<semaphore_mem>>) src(%dma_wait3A_10 : memref<64xi32, #tpu.memory_space<hbm>>) dst(%arg5 : memref<64xi32, #tpu.memory_space<vmem>>)
      tpu.yield
    }) : () -> ()
    %dma_start3A = arith.constant 0 : i32
    %dma_start3A_3 = arith.constant 0 : i32
    %dma_start3A_4 = tpu.memref_slice %arg2[%dma_start3A, %dma_start3A_3] : memref<2048x1024xf32, #tpu.memory_space<hbm>> -> memref<2048x1024xf32, #tpu.memory_space<hbm>>
    tpu.enqueue_indirect_dma source(%dma_start3A_4 : memref<2048x1024xf32, #tpu.memory_space<hbm>>) target(%arg6 : memref<64x1024xf32, #tpu.memory_space<vmem>>) offsets(%arg5 : memref<64xi32, #tpu.memory_space<vmem>>) semaphore(%arg7 : memref<!tpu.dma_semaphore, #tpu.memory_space<semaphore_mem>>)
    %dma_wait3A = arith.constant 0 : i32
    %dma_wait3A_5 = arith.constant 0 : i32
    %dma_wait3A_6 = tpu.memref_slice %arg2[%dma_wait3A, %dma_wait3A_5] : memref<2048x1024xf32, #tpu.memory_space<hbm>> -> memref<2048x1024xf32, #tpu.memory_space<hbm>>
    tpu.wait_indirect_dma semaphore(%arg7 : memref<!tpu.dma_semaphore, #tpu.memory_space<semaphore_mem>>) src(%dma_wait3A_6 : memref<2048x1024xf32, #tpu.memory_space<hbm>>) dst(%arg6 : memref<64x1024xf32, #tpu.memory_space<vmem>>)
    "tpu.region"() ({
      %run_scoped3A = tpu.sem_alloc : memref<!tpu.dma_semaphore, #tpu.memory_space<semaphore_mem>>
      %dma_start3A_7 = arith.constant 0 : i32
      %dma_start3A_8 = tpu.memref_slice %arg4[%mul3A_2, %dma_start3A_7] : memref<2048x1024xf32, #tpu.memory_space<hbm>> -> memref<64x1024xf32, #tpu.memory_space<hbm>>
      %dma_start3A_9 = arith.constant 0 : i32
      %dma_start3A_10 = tpu.memref_slice %arg4[%mul3A_2, %dma_start3A_9] : memref<2048x1024xf32, #tpu.memory_space<hbm>> -> memref<64x1024xf32, #tpu.memory_space<hbm>>
      tpu.enqueue_dma source(%arg6 : memref<64x1024xf32, #tpu.memory_space<vmem>>) target(%dma_start3A_10 : memref<64x1024xf32, #tpu.memory_space<hbm>>) target_semaphore(%run_scoped3A : memref<!tpu.dma_semaphore, #tpu.memory_space<semaphore_mem>>)
      %dma_wait3A_11 = arith.constant 0 : i32
      %dma_wait3A_12 = tpu.memref_slice %arg4[%mul3A_2, %dma_wait3A_11] : memref<2048x1024xf32, #tpu.memory_space<hbm>> -> memref<64x1024xf32, #tpu.memory_space<hbm>>
      %dma_wait3A_13 = arith.constant 0 : i32
      %dma_wait3A_14 = tpu.memref_slice %arg4[%mul3A_2, %dma_wait3A_13] : memref<2048x1024xf32, #tpu.memory_space<hbm>> -> memref<64x1024xf32, #tpu.memory_space<hbm>>
      tpu.wait_dma2 semaphore(%run_scoped3A : memref<!tpu.dma_semaphore, #tpu.memory_space<semaphore_mem>>) src(%arg6 : memref<64x1024xf32, #tpu.memory_space<vmem>>) dst(%dma_wait3A_14 : memref<64x1024xf32, #tpu.memory_space<hbm>>)
      tpu.yield
    }) : () -> ()
    return
  }
}

module attributes {stable_mosaic.version = 14 : i64} {
  func.func @_router_body(%arg0: memref<2048x1024xf32, #tpu.memory_space<vmem>>, %arg1: memref<64x1024xf32, #tpu.memory_space<vmem>>, %arg2: memref<2048x1xi32, #tpu.memory_space<vmem>>, %arg3: memref<2048x1xf32, #tpu.memory_space<vmem>>) attributes {dimension_semantics = [], scalar_prefetch = 0 : i64, scratch_operands = 0 : i64, tpu.core_type = #tpu.core_type<tc>} {
    %get3A = arith.constant 0 : index
    %get3A_0 = arith.constant 0 : index
    %get3A_1 = vector.load %arg0[%get3A, %get3A_0] : memref<2048x1024xf32, #tpu.memory_space<vmem>>, vector<2048x1024xf32>
    %get3A_2 = arith.constant 0 : index
    %get3A_3 = arith.constant 0 : index
    %get3A_4 = vector.load %arg1[%get3A_2, %get3A_3] : memref<64x1024xf32, #tpu.memory_space<vmem>>, vector<64x1024xf32>
    %dot_general3A = arith.constant dense<0.000000e+00> : vector<2048x64xf32>
    %dot_general3A_5 = tpu.matmul %get3A_1, %get3A_4, %dot_general3A {dimension_numbers = #tpu.dot_dimension_numbers<[1], [1], [0], [0], [0, 0, 1, 0], [], []>, transpose_lhs_hint = false} : vector<2048x1024xf32>, vector<64x1024xf32>, vector<2048x64xf32> -> vector<2048x64xf32>
    %logistic3A = arith.negf %dot_general3A_5 : vector<2048x64xf32>
    %logistic3A_6 = math.exp %logistic3A : vector<2048x64xf32>
    %logistic3A_7 = arith.constant 1.000000e+00 : f32
    %logistic3A_8 = vector.broadcast %logistic3A_7 : f32 to vector<2048x64xf32>
    %logistic3A_9 = arith.addf %logistic3A_8, %logistic3A_6 : vector<2048x64xf32>
    %logistic3A_10 = arith.divf %logistic3A_8, %logistic3A_9 : vector<2048x64xf32>
    %reshape3A = vector.shape_cast %logistic3A_10 : vector<2048x64xf32> to vector<2048x8x8xf32>
    %iota3A = tpu.iota {dimensions = array<i32: 2>} : vector<2048x8x8xi32>
    %reduce_max3A = arith.constant dense<0xFF800000> : vector<2048x8xf32>
    %reduce_max3A_11 = vector.multi_reduction <maximumf>, %reshape3A, %reduce_max3A [2] : vector<2048x8x8xf32> to vector<2048x8xf32>
    %broadcast_in_dim3A = vector.shape_cast %reduce_max3A_11 : vector<2048x8xf32> to vector<2048x8x1xf32>
    %eq3A = vector.broadcast %broadcast_in_dim3A : vector<2048x8x1xf32> to vector<2048x8x8xf32>
    %eq3A_12 = arith.cmpf oeq, %reshape3A, %eq3A : vector<2048x8x8xf32>
    %jit3A = arith.constant 8 : i32
    %broadcast_in_dim3A_13 = vector.broadcast %jit3A : i32 to vector<2048x8x8xi32>
    %select_n3A = arith.select %eq3A_12, %iota3A, %broadcast_in_dim3A_13 : vector<2048x8x8xi1>, vector<2048x8x8xi32>
    %reduce_min3A = arith.constant dense<2147483647> : vector<2048x8xi32>
    %reduce_min3A_14 = vector.multi_reduction <minsi>, %select_n3A, %reduce_min3A [2] : vector<2048x8x8xi32> to vector<2048x8xi32>
    %broadcast_in_dim3A_15 = vector.shape_cast %reduce_min3A_14 : vector<2048x8xi32> to vector<2048x8x1xi32>
    %eq3A_16 = vector.broadcast %broadcast_in_dim3A_15 : vector<2048x8x1xi32> to vector<2048x8x8xi32>
    %eq3A_17 = arith.cmpi eq, %iota3A, %eq3A_16 : vector<2048x8x8xi32>
    %jit3A_18 = arith.constant 0xFF800000 : f32
    %broadcast_in_dim3A_19 = vector.broadcast %jit3A_18 : f32 to vector<2048x8x8xf32>
    %select_n3A_20 = arith.select %eq3A_17, %broadcast_in_dim3A_19, %reshape3A : vector<2048x8x8xi1>, vector<2048x8x8xf32>
    %reduce_max3A_21 = arith.constant dense<0xFF800000> : vector<2048x8xf32>
    %reduce_max3A_22 = vector.multi_reduction <maximumf>, %select_n3A_20, %reduce_max3A_21 [2] : vector<2048x8x8xf32> to vector<2048x8xf32>
    %broadcast_in_dim3A_23 = vector.shape_cast %reduce_max3A_22 : vector<2048x8xf32> to vector<2048x8x1xf32>
    %add3A = arith.addf %broadcast_in_dim3A, %broadcast_in_dim3A_23 : vector<2048x8x1xf32>
    %squeeze3A = vector.shape_cast %add3A : vector<2048x8x1xf32> to vector<2048x8xf32>
    %iota3A_24 = tpu.iota {dimensions = array<i32: 1>} : vector<2048x8xi32>
    %broadcast_in_dim3A_25 = arith.constant 0.000000e+00 : f32
    %broadcast_in_dim3A_26 = vector.broadcast %broadcast_in_dim3A_25 : f32 to vector<2048x8xf32>
    %reduce_max3A_27 = arith.constant dense<0xFF800000> : vector<2048xf32>
    %reduce_max3A_28 = vector.multi_reduction <maximumf>, %squeeze3A, %reduce_max3A_27 [1] : vector<2048x8xf32> to vector<2048xf32>
    %broadcast_in_dim3A_29 = vector.shape_cast %reduce_max3A_28 : vector<2048xf32> to vector<2048x1xf32>
    %eq3A_30 = vector.broadcast %broadcast_in_dim3A_29 : vector<2048x1xf32> to vector<2048x8xf32>
    %eq3A_31 = arith.cmpf oeq, %squeeze3A, %eq3A_30 : vector<2048x8xf32>
    %jit3A_32 = arith.constant 8 : i32
    %broadcast_in_dim3A_33 = vector.broadcast %jit3A_32 : i32 to vector<2048x8xi32>
    %select_n3A_34 = arith.select %eq3A_31, %iota3A_24, %broadcast_in_dim3A_33 : vector<2048x8xi1>, vector<2048x8xi32>
    %reduce_min3A_35 = arith.constant dense<2147483647> : vector<2048xi32>
    %reduce_min3A_36 = vector.multi_reduction <minsi>, %select_n3A_34, %reduce_min3A_35 [1] : vector<2048x8xi32> to vector<2048xi32>
    %broadcast_in_dim3A_37 = vector.shape_cast %reduce_min3A_36 : vector<2048xi32> to vector<2048x1xi32>
    %eq3A_38 = vector.broadcast %broadcast_in_dim3A_37 : vector<2048x1xi32> to vector<2048x8xi32>
    %eq3A_39 = arith.cmpi eq, %iota3A_24, %eq3A_38 : vector<2048x8xi32>
    %jit3A_40 = arith.constant 1.000000e+00 : f32
    %broadcast_in_dim3A_41 = vector.broadcast %jit3A_40 : f32 to vector<2048x8xf32>
    %select_n3A_42 = arith.select %eq3A_39, %broadcast_in_dim3A_41, %broadcast_in_dim3A_26 : vector<2048x8xi1>, vector<2048x8xf32>
    %jit3A_43 = arith.constant 0xFF800000 : f32
    %broadcast_in_dim3A_44 = vector.broadcast %jit3A_43 : f32 to vector<2048x8xf32>
    %select_n3A_45 = arith.select %eq3A_39, %broadcast_in_dim3A_44, %squeeze3A : vector<2048x8xi1>, vector<2048x8xf32>
    %reduce_max3A_46 = arith.constant dense<0xFF800000> : vector<2048xf32>
    %reduce_max3A_47 = vector.multi_reduction <maximumf>, %select_n3A_45, %reduce_max3A_46 [1] : vector<2048x8xf32> to vector<2048xf32>
    %broadcast_in_dim3A_48 = vector.shape_cast %reduce_max3A_47 : vector<2048xf32> to vector<2048x1xf32>
    %eq3A_49 = vector.broadcast %broadcast_in_dim3A_48 : vector<2048x1xf32> to vector<2048x8xf32>
    %eq3A_50 = arith.cmpf oeq, %select_n3A_45, %eq3A_49 : vector<2048x8xf32>
    %jit3A_51 = arith.constant 8 : i32
    %broadcast_in_dim3A_52 = vector.broadcast %jit3A_51 : i32 to vector<2048x8xi32>
    %select_n3A_53 = arith.select %eq3A_50, %iota3A_24, %broadcast_in_dim3A_52 : vector<2048x8xi1>, vector<2048x8xi32>
    %reduce_min3A_54 = arith.constant dense<2147483647> : vector<2048xi32>
    %reduce_min3A_55 = vector.multi_reduction <minsi>, %select_n3A_53, %reduce_min3A_54 [1] : vector<2048x8xi32> to vector<2048xi32>
    %broadcast_in_dim3A_56 = vector.shape_cast %reduce_min3A_55 : vector<2048xi32> to vector<2048x1xi32>
    %eq3A_57 = vector.broadcast %broadcast_in_dim3A_56 : vector<2048x1xi32> to vector<2048x8xi32>
    %eq3A_58 = arith.cmpi eq, %iota3A_24, %eq3A_57 : vector<2048x8xi32>
    %jit3A_59 = arith.constant 1.000000e+00 : f32
    %broadcast_in_dim3A_60 = vector.broadcast %jit3A_59 : f32 to vector<2048x8xf32>
    %select_n3A_61 = arith.select %eq3A_58, %broadcast_in_dim3A_60, %select_n3A_42 : vector<2048x8xi1>, vector<2048x8xf32>
    %jit3A_62 = arith.constant 0xFF800000 : f32
    %broadcast_in_dim3A_63 = vector.broadcast %jit3A_62 : f32 to vector<2048x8xf32>
    %select_n3A_64 = arith.select %eq3A_58, %broadcast_in_dim3A_63, %select_n3A_45 : vector<2048x8xi1>, vector<2048x8xf32>
    %reduce_max3A_65 = arith.constant dense<0xFF800000> : vector<2048xf32>
    %reduce_max3A_66 = vector.multi_reduction <maximumf>, %select_n3A_64, %reduce_max3A_65 [1] : vector<2048x8xf32> to vector<2048xf32>
    %broadcast_in_dim3A_67 = vector.shape_cast %reduce_max3A_66 : vector<2048xf32> to vector<2048x1xf32>
    %eq3A_68 = vector.broadcast %broadcast_in_dim3A_67 : vector<2048x1xf32> to vector<2048x8xf32>
    %eq3A_69 = arith.cmpf oeq, %select_n3A_64, %eq3A_68 : vector<2048x8xf32>
    %jit3A_70 = arith.constant 8 : i32
    %broadcast_in_dim3A_71 = vector.broadcast %jit3A_70 : i32 to vector<2048x8xi32>
    %select_n3A_72 = arith.select %eq3A_69, %iota3A_24, %broadcast_in_dim3A_71 : vector<2048x8xi1>, vector<2048x8xi32>
    %reduce_min3A_73 = arith.constant dense<2147483647> : vector<2048xi32>
    %reduce_min3A_74 = vector.multi_reduction <minsi>, %select_n3A_72, %reduce_min3A_73 [1] : vector<2048x8xi32> to vector<2048xi32>
    %broadcast_in_dim3A_75 = vector.shape_cast %reduce_min3A_74 : vector<2048xi32> to vector<2048x1xi32>
    %eq3A_76 = vector.broadcast %broadcast_in_dim3A_75 : vector<2048x1xi32> to vector<2048x8xi32>
    %eq3A_77 = arith.cmpi eq, %iota3A_24, %eq3A_76 : vector<2048x8xi32>
    %jit3A_78 = arith.constant 1.000000e+00 : f32
    %broadcast_in_dim3A_79 = vector.broadcast %jit3A_78 : f32 to vector<2048x8xf32>
    %select_n3A_80 = arith.select %eq3A_77, %broadcast_in_dim3A_79, %select_n3A_61 : vector<2048x8xi1>, vector<2048x8xf32>
    %jit3A_81 = arith.constant 0xFF800000 : f32
    %broadcast_in_dim3A_82 = vector.broadcast %jit3A_81 : f32 to vector<2048x8xf32>
    %select_n3A_83 = arith.select %eq3A_77, %broadcast_in_dim3A_82, %select_n3A_64 : vector<2048x8xi1>, vector<2048x8xf32>
    %reduce_max3A_84 = arith.constant dense<0xFF800000> : vector<2048xf32>
    %reduce_max3A_85 = vector.multi_reduction <maximumf>, %select_n3A_83, %reduce_max3A_84 [1] : vector<2048x8xf32> to vector<2048xf32>
    %broadcast_in_dim3A_86 = vector.shape_cast %reduce_max3A_85 : vector<2048xf32> to vector<2048x1xf32>
    %eq3A_87 = vector.broadcast %broadcast_in_dim3A_86 : vector<2048x1xf32> to vector<2048x8xf32>
    %eq3A_88 = arith.cmpf oeq, %select_n3A_83, %eq3A_87 : vector<2048x8xf32>
    %jit3A_89 = arith.constant 8 : i32
    %broadcast_in_dim3A_90 = vector.broadcast %jit3A_89 : i32 to vector<2048x8xi32>
    %select_n3A_91 = arith.select %eq3A_88, %iota3A_24, %broadcast_in_dim3A_90 : vector<2048x8xi1>, vector<2048x8xi32>
    %reduce_min3A_92 = arith.constant dense<2147483647> : vector<2048xi32>
    %reduce_min3A_93 = vector.multi_reduction <minsi>, %select_n3A_91, %reduce_min3A_92 [1] : vector<2048x8xi32> to vector<2048xi32>
    %broadcast_in_dim3A_94 = vector.shape_cast %reduce_min3A_93 : vector<2048xi32> to vector<2048x1xi32>
    %eq3A_95 = vector.broadcast %broadcast_in_dim3A_94 : vector<2048x1xi32> to vector<2048x8xi32>
    %eq3A_96 = arith.cmpi eq, %iota3A_24, %eq3A_95 : vector<2048x8xi32>
    %jit3A_97 = arith.constant 1.000000e+00 : f32
    %broadcast_in_dim3A_98 = vector.broadcast %jit3A_97 : f32 to vector<2048x8xf32>
    %select_n3A_99 = arith.select %eq3A_96, %broadcast_in_dim3A_98, %select_n3A_80 : vector<2048x8xi1>, vector<2048x8xf32>
    %broadcast_in_dim3A_100 = vector.shape_cast %select_n3A_99 : vector<2048x8xf32> to vector<2048x8x1xf32>
    %mul3A = vector.broadcast %broadcast_in_dim3A_100 : vector<2048x8x1xf32> to vector<2048x8x8xf32>
    %mul3A_101 = arith.mulf %reshape3A, %mul3A : vector<2048x8x8xf32>
    %reshape3A_102 = vector.shape_cast %mul3A_101 : vector<2048x8x8xf32> to vector<2048x64xf32>
    %iota3A_103 = tpu.iota {dimensions = array<i32: 1>} : vector<2048x64xi32>
    %reduce_max3A_104 = arith.constant dense<0xFF800000> : vector<2048xf32>
    %reduce_max3A_105 = vector.multi_reduction <maximumf>, %reshape3A_102, %reduce_max3A_104 [1] : vector<2048x64xf32> to vector<2048xf32>
    %broadcast_in_dim3A_106 = vector.shape_cast %reduce_max3A_105 : vector<2048xf32> to vector<2048x1xf32>
    %eq3A_107 = vector.broadcast %broadcast_in_dim3A_106 : vector<2048x1xf32> to vector<2048x64xf32>
    %eq3A_108 = arith.cmpf oeq, %reshape3A_102, %eq3A_107 : vector<2048x64xf32>
    %jit3A_109 = arith.constant 64 : i32
    %broadcast_in_dim3A_110 = vector.broadcast %jit3A_109 : i32 to vector<2048x64xi32>
    %select_n3A_111 = arith.select %eq3A_108, %iota3A_103, %broadcast_in_dim3A_110 : vector<2048x64xi1>, vector<2048x64xi32>
    %reduce_min3A_112 = arith.constant dense<2147483647> : vector<2048xi32>
    %reduce_min3A_113 = vector.multi_reduction <minsi>, %select_n3A_111, %reduce_min3A_112 [1] : vector<2048x64xi32> to vector<2048xi32>
    %broadcast_in_dim3A_114 = vector.shape_cast %reduce_min3A_113 : vector<2048xi32> to vector<2048x1xi32>
    %eq3A_115 = vector.broadcast %broadcast_in_dim3A_114 : vector<2048x1xi32> to vector<2048x64xi32>
    %eq3A_116 = arith.cmpi eq, %iota3A_103, %eq3A_115 : vector<2048x64xi32>
    %jit3A_117 = arith.constant 0.000000e+00 : f32
    %broadcast_in_dim3A_118 = vector.broadcast %jit3A_117 : f32 to vector<2048x64xf32>
    %select_n3A_119 = arith.select %eq3A_116, %logistic3A_10, %broadcast_in_dim3A_118 : vector<2048x64xi1>, vector<2048x64xf32>
    %reduce_sum3A = arith.constant dense<0.000000e+00> : vector<2048xf32>
    %reduce_sum3A_120 = vector.multi_reduction <add>, %select_n3A_119, %reduce_sum3A [1] : vector<2048x64xf32> to vector<2048xf32>
    %broadcast_in_dim3A_121 = vector.shape_cast %reduce_sum3A_120 : vector<2048xf32> to vector<2048x1xf32>
    %add3A_122 = arith.constant 9.99999968E-21 : f32
    %add3A_123 = vector.broadcast %add3A_122 : f32 to vector<2048x1xf32>
    %add3A_124 = arith.addf %broadcast_in_dim3A_121, %add3A_123 : vector<2048x1xf32>
    %div3A = arith.divf %broadcast_in_dim3A_121, %add3A_124 : vector<2048x1xf32>
    %mul3A_125 = arith.constant 2.500000e+00 : f32
    %mul3A_126 = vector.broadcast %mul3A_125 : f32 to vector<2048x1xf32>
    %mul3A_127 = arith.mulf %div3A, %mul3A_126 : vector<2048x1xf32>
    %swap3A = arith.constant 0 : index
    %swap3A_128 = arith.constant 0 : index
    %swap3A_129 = vector.load %arg2[%swap3A, %swap3A_128] : memref<2048x1xi32, #tpu.memory_space<vmem>>, vector<2048x1xi32>
    tpu.vector_store %arg2[%swap3A, %swap3A_128], %broadcast_in_dim3A_114 {strides = array<i32>} : memref<2048x1xi32, #tpu.memory_space<vmem>>, vector<2048x1xi32>,
    %swap3A_130 = arith.constant 0 : index
    %swap3A_131 = arith.constant 0 : index
    %swap3A_132 = vector.load %arg3[%swap3A_130, %swap3A_131] : memref<2048x1xf32, #tpu.memory_space<vmem>>, vector<2048x1xf32>
    tpu.vector_store %arg3[%swap3A_130, %swap3A_131], %mul3A_127 {strides = array<i32>} : memref<2048x1xf32, #tpu.memory_space<vmem>>, vector<2048x1xf32>,
    return
  }
}

module attributes {stable_mosaic.version = 14 : i64} {
  func.func @_shared_body(%arg0: i32, %arg1: memref<256x1024xf32, #tpu.memory_space<vmem>>, %arg2: memref<1024x1024xf32, #tpu.memory_space<vmem>>, %arg3: memref<1024x1024xf32, #tpu.memory_space<vmem>>, %arg4: memref<1024x1024xf32, #tpu.memory_space<vmem>>, %arg5: memref<256x1024xf32, #tpu.memory_space<vmem>>, %arg6: memref<256x1024xf32, #tpu.memory_space<vmem>>) attributes {dimension_semantics = [#tpu.dimension_semantics<arbitrary>], iteration_bounds = array<i64: 8>, scalar_prefetch = 0 : i64, scratch_operands = 0 : i64, tpu.core_type = #tpu.core_type<tc>, window_params = [{transform_indices = @transform_0, window_bounds = array<i64: 256, 1024>}, {pipeline_mode = #tpu.pipeline_mode<synchronous>, transform_indices = @transform_1, window_bounds = array<i64: 1024, 1024>}, {pipeline_mode = #tpu.pipeline_mode<synchronous>, transform_indices = @transform_2, window_bounds = array<i64: 1024, 1024>}, {pipeline_mode = #tpu.pipeline_mode<synchronous>, transform_indices = @transform_3, window_bounds = array<i64: 1024, 1024>}, {transform_indices = @transform_4, window_bounds = array<i64: 256, 1024>}, {transform_indices = @transform_5, window_bounds = array<i64: 256, 1024>}]} {
    %get3A = arith.constant 0 : index
    %get3A_0 = arith.constant 0 : index
    %get3A_1 = vector.load %arg1[%get3A, %get3A_0] : memref<256x1024xf32, #tpu.memory_space<vmem>>, vector<256x1024xf32>
    %convert_element_type3A = arith.truncf %get3A_1 : vector<256x1024xf32> to vector<256x1024xbf16>
    %get3A_2 = arith.constant 0 : index
    %get3A_3 = arith.constant 0 : index
    %get3A_4 = vector.load %arg2[%get3A_2, %get3A_3] : memref<1024x1024xf32, #tpu.memory_space<vmem>>, vector<1024x1024xf32>
    %convert_element_type3A_5 = arith.truncf %get3A_4 : vector<1024x1024xf32> to vector<1024x1024xbf16>
    %dot_general3A = arith.constant dense<0.000000e+00> : vector<256x1024xf32>
    %dot_general3A_6 = tpu.matmul %convert_element_type3A, %convert_element_type3A_5, %dot_general3A {dimension_numbers = #tpu.dot_dimension_numbers<[1], [1], [0], [0], [0, 0, 1, 0], [], []>, transpose_lhs_hint = false} : vector<256x1024xbf16>, vector<1024x1024xbf16>, vector<256x1024xf32> -> vector<256x1024xf32>
    %get3A_7 = arith.constant 0 : index
    %get3A_8 = arith.constant 0 : index
    %get3A_9 = vector.load %arg3[%get3A_7, %get3A_8] : memref<1024x1024xf32, #tpu.memory_space<vmem>>, vector<1024x1024xf32>
    %convert_element_type3A_10 = arith.truncf %get3A_9 : vector<1024x1024xf32> to vector<1024x1024xbf16>
    %dot_general3A_11 = arith.constant dense<0.000000e+00> : vector<256x1024xf32>
    %dot_general3A_12 = tpu.matmul %convert_element_type3A, %convert_element_type3A_10, %dot_general3A_11 {dimension_numbers = #tpu.dot_dimension_numbers<[1], [1], [0], [0], [0, 0, 1, 0], [], []>, transpose_lhs_hint = false} : vector<256x1024xbf16>, vector<1024x1024xbf16>, vector<256x1024xf32> -> vector<256x1024xf32>
    %logistic3A = arith.negf %dot_general3A_6 : vector<256x1024xf32>
    %logistic3A_13 = math.exp %logistic3A : vector<256x1024xf32>
    %logistic3A_14 = arith.constant 1.000000e+00 : f32
    %logistic3A_15 = vector.broadcast %logistic3A_14 : f32 to vector<256x1024xf32>
    %logistic3A_16 = arith.addf %logistic3A_15, %logistic3A_13 : vector<256x1024xf32>
    %logistic3A_17 = arith.divf %logistic3A_15, %logistic3A_16 : vector<256x1024xf32>
    %mul3A = arith.mulf %dot_general3A_6, %logistic3A_17 : vector<256x1024xf32>
    %mul3A_18 = arith.mulf %mul3A, %dot_general3A_12 : vector<256x1024xf32>
    %convert_element_type3A_19 = arith.truncf %mul3A_18 : vector<256x1024xf32> to vector<256x1024xbf16>
    %get3A_20 = arith.constant 0 : index
    %get3A_21 = arith.constant 0 : index
    %get3A_22 = vector.load %arg4[%get3A_20, %get3A_21] : memref<1024x1024xf32, #tpu.memory_space<vmem>>, vector<1024x1024xf32>
    %convert_element_type3A_23 = arith.truncf %get3A_22 : vector<1024x1024xf32> to vector<1024x1024xbf16>
    %dot_general3A_24 = arith.constant dense<0.000000e+00> : vector<256x1024xf32>
    %dot_general3A_25 = tpu.matmul %convert_element_type3A_19, %convert_element_type3A_23, %dot_general3A_24 {dimension_numbers = #tpu.dot_dimension_numbers<[1], [1], [0], [0], [0, 0, 1, 0], [], []>, transpose_lhs_hint = false} : vector<256x1024xbf16>, vector<1024x1024xbf16>, vector<256x1024xf32> -> vector<256x1024xf32>
    %get3A_26 = arith.constant 0 : index
    %get3A_27 = arith.constant 0 : index
    %get3A_28 = vector.load %arg5[%get3A_26, %get3A_27] : memref<256x1024xf32, #tpu.memory_space<vmem>>, vector<256x1024xf32>
    %add3A = arith.addf %dot_general3A_25, %get3A_28 : vector<256x1024xf32>
    %swap3A = arith.constant 0 : index
    %swap3A_29 = arith.constant 0 : index
    %swap3A_30 = vector.load %arg6[%swap3A, %swap3A_29] : memref<256x1024xf32, #tpu.memory_space<vmem>>, vector<256x1024xf32>
    tpu.vector_store %arg6[%swap3A, %swap3A_29], %add3A {strides = array<i32>} : memref<256x1024xf32, #tpu.memory_space<vmem>>, vector<256x1024xf32>,
    return
  }
  func.func @transform_0(%arg0: i32) -> (i32, i32) {
    %c0_i32 = arith.constant 0 : i32
    %c0_i32_0 = arith.constant 0 : i32
    return %arg0, %c0_i32 : i32, i32
  }
  func.func @transform_1(%arg0: i32) -> (i32, i32) {
    %c0_i32 = arith.constant 0 : i32
    %c0_i32_0 = arith.constant 0 : i32
    %c0_i32_1 = arith.constant 0 : i32
    return %c0_i32, %c0_i32_0 : i32, i32
  }
  func.func @transform_2(%arg0: i32) -> (i32, i32) {
    %c0_i32 = arith.constant 0 : i32
    %c0_i32_0 = arith.constant 0 : i32
    %c0_i32_1 = arith.constant 0 : i32
    return %c0_i32, %c0_i32_0 : i32, i32
  }
  func.func @transform_3(%arg0: i32) -> (i32, i32) {
    %c0_i32 = arith.constant 0 : i32
    %c0_i32_0 = arith.constant 0 : i32
    %c0_i32_1 = arith.constant 0 : i32
    return %c0_i32, %c0_i32_0 : i32, i32
  }
  func.func @transform_4(%arg0: i32) -> (i32, i32) {
    %c0_i32 = arith.constant 0 : i32
    %c0_i32_0 = arith.constant 0 : i32
    return %arg0, %c0_i32 : i32, i32
  }
  func.func @transform_5(%arg0: i32) -> (i32, i32) {
    %c0_i32 = arith.constant 0 : i32
    %c0_i32_0 = arith.constant 0 : i32
    return %arg0, %c0_i32 : i32, i32
  }
}

module attributes {stable_mosaic.version = 14 : i64} {
  func.func @_moe_body(%arg0: i32, %arg1: memref<72xi32, #tpu.memory_space<smem>>, %arg2: memref<72xi32, #tpu.memory_space<smem>>, %arg3: memref<72xi32, #tpu.memory_space<smem>>, %arg4: memref<72xi32, #tpu.memory_space<smem>>, %arg5: memref<256x1024xf32, #tpu.memory_space<vmem>>, %arg6: memref<1x512x1024xf32, #tpu.memory_space<vmem>>, %arg7: memref<1x512x1024xf32, #tpu.memory_space<vmem>>, %arg8: memref<1x1024x512xf32, #tpu.memory_space<vmem>>, %arg9: memref<256x1xi32, #tpu.memory_space<vmem>>, %arg10: memref<256x1xf32, #tpu.memory_space<vmem>>, %arg11: memref<256x1024xf32, #tpu.memory_space<vmem>>) attributes {dimension_semantics = [#tpu.dimension_semantics<arbitrary>], iteration_bounds = array<i64: 72>, scalar_prefetch = 4 : i64, scratch_operands = 0 : i64, tpu.core_type = #tpu.core_type<tc>, window_params = [{transform_indices = @transform_0, window_bounds = array<i64: 256, 1024>}, {transform_indices = @transform_1, window_bounds = array<i64: 1, 512, 1024>}, {transform_indices = @transform_2, window_bounds = array<i64: 1, 512, 1024>}, {transform_indices = @transform_3, window_bounds = array<i64: 1, 1024, 512>}, {transform_indices = @transform_4, window_bounds = array<i64: 256, 1>}, {transform_indices = @transform_5, window_bounds = array<i64: 256, 1>}, {transform_indices = @transform_6, window_bounds = array<i64: 256, 1024>}]} {
    %get3A = arith.index_cast %arg0 : i32 to index
    %get3A_0 = memref.load %arg2[%get3A] : memref<72xi32, #tpu.memory_space<smem>>
    %get3A_1 = arith.constant 0 : index
    %get3A_2 = arith.constant 0 : index
    %get3A_3 = vector.load %arg5[%get3A_1, %get3A_2] : memref<256x1024xf32, #tpu.memory_space<vmem>>, vector<256x1024xf32>
    %convert_element_type3A = arith.truncf %get3A_3 : vector<256x1024xf32> to vector<256x1024xbf16>
    %get3A_4 = arith.constant 0 : index
    %get3A_5 = arith.constant 0 : index
    %get3A_6 = arith.constant 0 : index
    %get3A_7 = vector.load %arg6[%get3A_4, %get3A_5, %get3A_6] : memref<1x512x1024xf32, #tpu.memory_space<vmem>>, vector<1x512x1024xf32>
    %get3A_8 = vector.shape_cast %get3A_7 : vector<1x512x1024xf32> to vector<512x1024xf32>
    %convert_element_type3A_9 = arith.truncf %get3A_8 : vector<512x1024xf32> to vector<512x1024xbf16>
    %get3A_10 = arith.constant 0 : index
    %get3A_11 = arith.constant 0 : index
    %get3A_12 = arith.constant 0 : index
    %get3A_13 = vector.load %arg7[%get3A_10, %get3A_11, %get3A_12] : memref<1x512x1024xf32, #tpu.memory_space<vmem>>, vector<1x512x1024xf32>
    %get3A_14 = vector.shape_cast %get3A_13 : vector<1x512x1024xf32> to vector<512x1024xf32>
    %convert_element_type3A_15 = arith.truncf %get3A_14 : vector<512x1024xf32> to vector<512x1024xbf16>
    %get3A_16 = arith.constant 0 : index
    %get3A_17 = arith.constant 0 : index
    %get3A_18 = arith.constant 0 : index
    %get3A_19 = vector.load %arg8[%get3A_16, %get3A_17, %get3A_18] : memref<1x1024x512xf32, #tpu.memory_space<vmem>>, vector<1x1024x512xf32>
    %get3A_20 = vector.shape_cast %get3A_19 : vector<1x1024x512xf32> to vector<1024x512xf32>
    %convert_element_type3A_21 = arith.truncf %get3A_20 : vector<1024x512xf32> to vector<1024x512xbf16>
    %dot_general3A = arith.constant dense<0.000000e+00> : vector<256x512xf32>
    %dot_general3A_22 = tpu.matmul %convert_element_type3A, %convert_element_type3A_9, %dot_general3A {dimension_numbers = #tpu.dot_dimension_numbers<[1], [1], [0], [0], [0, 0, 1, 0], [], []>, transpose_lhs_hint = false} : vector<256x1024xbf16>, vector<512x1024xbf16>, vector<256x512xf32> -> vector<256x512xf32>
    %dot_general3A_23 = arith.constant dense<0.000000e+00> : vector<256x512xf32>
    %dot_general3A_24 = tpu.matmul %convert_element_type3A, %convert_element_type3A_15, %dot_general3A_23 {dimension_numbers = #tpu.dot_dimension_numbers<[1], [1], [0], [0], [0, 0, 1, 0], [], []>, transpose_lhs_hint = false} : vector<256x1024xbf16>, vector<512x1024xbf16>, vector<256x512xf32> -> vector<256x512xf32>
    %logistic3A = arith.negf %dot_general3A_22 : vector<256x512xf32>
    %logistic3A_25 = math.exp %logistic3A : vector<256x512xf32>
    %logistic3A_26 = arith.constant 1.000000e+00 : f32
    %logistic3A_27 = vector.broadcast %logistic3A_26 : f32 to vector<256x512xf32>
    %logistic3A_28 = arith.addf %logistic3A_27, %logistic3A_25 : vector<256x512xf32>
    %logistic3A_29 = arith.divf %logistic3A_27, %logistic3A_28 : vector<256x512xf32>
    %mul3A = arith.mulf %dot_general3A_22, %logistic3A_29 : vector<256x512xf32>
    %mul3A_30 = arith.mulf %mul3A, %dot_general3A_24 : vector<256x512xf32>
    %convert_element_type3A_31 = arith.truncf %mul3A_30 : vector<256x512xf32> to vector<256x512xbf16>
    %dot_general3A_32 = arith.constant dense<0.000000e+00> : vector<256x1024xf32>
    %dot_general3A_33 = tpu.matmul %convert_element_type3A_31, %convert_element_type3A_21, %dot_general3A_32 {dimension_numbers = #tpu.dot_dimension_numbers<[1], [1], [0], [0], [0, 0, 1, 0], [], []>, transpose_lhs_hint = false} : vector<256x512xbf16>, vector<1024x512xbf16>, vector<256x1024xf32> -> vector<256x1024xf32>
    %get3A_34 = arith.constant 0 : index
    %get3A_35 = arith.constant 0 : index
    %get3A_36 = vector.load %arg9[%get3A_34, %get3A_35] : memref<256x1xi32, #tpu.memory_space<vmem>>, vector<256x1xi32>
    %eq3A = vector.broadcast %get3A_0 : i32 to vector<256x1xi32>
    %eq3A_37 = arith.cmpi eq, %get3A_36, %eq3A : vector<256x1xi32>
    %get3A_38 = arith.index_cast %arg0 : i32 to index
    %get3A_39 = memref.load %arg4[%get3A_38] : memref<72xi32, #tpu.memory_space<smem>>
    %eq3A_40 = arith.constant 1 : i32
    %eq3A_41 = arith.cmpi eq, %get3A_39, %eq3A_40 : i32
    %and3A = vector.broadcast %eq3A_41 : i1 to vector<256x1xi1>
    %and3A_42 = arith.andi %eq3A_37, %and3A : vector<256x1xi1>
    %get3A_43 = arith.constant 0 : index
    %get3A_44 = arith.constant 0 : index
    %get3A_45 = vector.load %arg10[%get3A_43, %get3A_44] : memref<256x1xf32, #tpu.memory_space<vmem>>, vector<256x1xf32>
    %jit3A = arith.constant 0.000000e+00 : f32
    %broadcast_in_dim3A = vector.broadcast %jit3A : f32 to vector<256x1xf32>
    %select_n3A = arith.select %and3A_42, %get3A_45, %broadcast_in_dim3A : vector<256x1xi1>, vector<256x1xf32>
    %get3A_46 = arith.index_cast %arg0 : i32 to index
    %get3A_47 = memref.load %arg3[%get3A_46] : memref<72xi32, #tpu.memory_space<smem>>
    %eq3A_48 = arith.constant 1 : i32
    %eq3A_49 = arith.cmpi eq, %get3A_47, %eq3A_48 : i32
    %convert_element_type3A_50 = arith.extui %eq3A_49 : i1 to i32
    %cond3A = arith.constant 0 : i32
    %cond3A_51 = arith.cmpi ne, %convert_element_type3A_50, %cond3A : i32
    scf.if %cond3A_51 {
      %broadcast_in_dim3A_59 = arith.constant 0.000000e+00 : f32
      %broadcast_in_dim3A_60 = vector.broadcast %broadcast_in_dim3A_59 : f32 to vector<256x1024xf32>
      %swap3A_61 = arith.constant 0 : index
      %swap3A_62 = arith.constant 0 : index
      %swap3A_63 = vector.load %arg11[%swap3A_61, %swap3A_62] : memref<256x1024xf32, #tpu.memory_space<vmem>>, vector<256x1024xf32>
      tpu.vector_store %arg11[%swap3A_61, %swap3A_62], %broadcast_in_dim3A_60 {strides = array<i32>} : memref<256x1024xf32, #tpu.memory_space<vmem>>, vector<256x1024xf32>,
    } else {
    }
    %get3A_52 = arith.constant 0 : index
    %get3A_53 = arith.constant 0 : index
    %get3A_54 = vector.load %arg11[%get3A_52, %get3A_53] : memref<256x1024xf32, #tpu.memory_space<vmem>>, vector<256x1024xf32>
    %mul3A_55 = vector.broadcast %select_n3A : vector<256x1xf32> to vector<256x1024xf32>
    %mul3A_56 = arith.mulf %dot_general3A_33, %mul3A_55 : vector<256x1024xf32>
    %add3A = arith.addf %get3A_54, %mul3A_56 : vector<256x1024xf32>
    %swap3A = arith.constant 0 : index
    %swap3A_57 = arith.constant 0 : index
    %swap3A_58 = vector.load %arg11[%swap3A, %swap3A_57] : memref<256x1024xf32, #tpu.memory_space<vmem>>, vector<256x1024xf32>
    tpu.vector_store %arg11[%swap3A, %swap3A_57], %add3A {strides = array<i32>} : memref<256x1024xf32, #tpu.memory_space<vmem>>, vector<256x1024xf32>,
    return
  }
  func.func @transform_0(%arg0: i32, %arg1: memref<72xi32, #tpu.memory_space<smem>>, %arg2: memref<72xi32, #tpu.memory_space<smem>>, %arg3: memref<72xi32, #tpu.memory_space<smem>>, %arg4: memref<72xi32, #tpu.memory_space<smem>>) -> (i32, i32) {
    %get3A = arith.index_cast %arg0 : i32 to index
    %get3A_0 = memref.load %arg1[%get3A] : memref<72xi32, #tpu.memory_space<smem>>
    %c0_i32 = arith.constant 0 : i32
    %c0_i32_1 = arith.constant 0 : i32
    return %get3A_0, %c0_i32 : i32, i32
  }
  func.func @transform_1(%arg0: i32, %arg1: memref<72xi32, #tpu.memory_space<smem>>, %arg2: memref<72xi32, #tpu.memory_space<smem>>, %arg3: memref<72xi32, #tpu.memory_space<smem>>, %arg4: memref<72xi32, #tpu.memory_space<smem>>) -> (i32, i32, i32) {
    %get3A = arith.index_cast %arg0 : i32 to index
    %get3A_0 = memref.load %arg2[%get3A] : memref<72xi32, #tpu.memory_space<smem>>
    %c0_i32 = arith.constant 0 : i32
    %c0_i32_1 = arith.constant 0 : i32
    %c0_i32_2 = arith.constant 0 : i32
    return %get3A_0, %c0_i32, %c0_i32_1 : i32, i32, i32
  }
  func.func @transform_2(%arg0: i32, %arg1: memref<72xi32, #tpu.memory_space<smem>>, %arg2: memref<72xi32, #tpu.memory_space<smem>>, %arg3: memref<72xi32, #tpu.memory_space<smem>>, %arg4: memref<72xi32, #tpu.memory_space<smem>>) -> (i32, i32, i32) {
    %get3A = arith.index_cast %arg0 : i32 to index
    %get3A_0 = memref.load %arg2[%get3A] : memref<72xi32, #tpu.memory_space<smem>>
    %c0_i32 = arith.constant 0 : i32
    %c0_i32_1 = arith.constant 0 : i32
    %c0_i32_2 = arith.constant 0 : i32
    return %get3A_0, %c0_i32, %c0_i32_1 : i32, i32, i32
  }
  func.func @transform_3(%arg0: i32, %arg1: memref<72xi32, #tpu.memory_space<smem>>, %arg2: memref<72xi32, #tpu.memory_space<smem>>, %arg3: memref<72xi32, #tpu.memory_space<smem>>, %arg4: memref<72xi32, #tpu.memory_space<smem>>) -> (i32, i32, i32) {
    %get3A = arith.index_cast %arg0 : i32 to index
    %get3A_0 = memref.load %arg2[%get3A] : memref<72xi32, #tpu.memory_space<smem>>
    %c0_i32 = arith.constant 0 : i32
    %c0_i32_1 = arith.constant 0 : i32
    %c0_i32_2 = arith.constant 0 : i32
    return %get3A_0, %c0_i32, %c0_i32_1 : i32, i32, i32
  }
  func.func @transform_4(%arg0: i32, %arg1: memref<72xi32, #tpu.memory_space<smem>>, %arg2: memref<72xi32, #tpu.memory_space<smem>>, %arg3: memref<72xi32, #tpu.memory_space<smem>>, %arg4: memref<72xi32, #tpu.memory_space<smem>>) -> (i32, i32) {
    %get3A = arith.index_cast %arg0 : i32 to index
    %get3A_0 = memref.load %arg1[%get3A] : memref<72xi32, #tpu.memory_space<smem>>
    %c0_i32 = arith.constant 0 : i32
    %c0_i32_1 = arith.constant 0 : i32
    return %get3A_0, %c0_i32 : i32, i32
  }
  func.func @transform_5(%arg0: i32, %arg1: memref<72xi32, #tpu.memory_space<smem>>, %arg2: memref<72xi32, #tpu.memory_space<smem>>, %arg3: memref<72xi32, #tpu.memory_space<smem>>, %arg4: memref<72xi32, #tpu.memory_space<smem>>) -> (i32, i32) {
    %get3A = arith.index_cast %arg0 : i32 to index
    %get3A_0 = memref.load %arg1[%get3A] : memref<72xi32, #tpu.memory_space<smem>>
    %c0_i32 = arith.constant 0 : i32
    %c0_i32_1 = arith.constant 0 : i32
    return %get3A_0, %c0_i32 : i32, i32
  }
  func.func @transform_6(%arg0: i32, %arg1: memref<72xi32, #tpu.memory_space<smem>>, %arg2: memref<72xi32, #tpu.memory_space<smem>>, %arg3: memref<72xi32, #tpu.memory_space<smem>>, %arg4: memref<72xi32, #tpu.memory_space<smem>>) -> (i32, i32) {
    %get3A = arith.index_cast %arg0 : i32 to index
    %get3A_0 = memref.load %arg1[%get3A] : memref<72xi32, #tpu.memory_space<smem>>
    %c0_i32 = arith.constant 0 : i32
    %c0_i32_1 = arith.constant 0 : i32
    return %get3A_0, %c0_i32 : i32, i32
  }
}

</mosaic_0001>

<sc_bundles>
// kernel: gather_offload_async_start.1
scs
__scs_entry_jumppad:
0x0: {  	(pc) =	sbr.rel $0x88, $3  }
0x1: {  	(tag) =	ssettag $0x0;
	lr =	simm.s32 $0x1  }
0x2: {  	[smem:$0x3F99] =	sst lr;
	_ =	strace $0xD0000000  }
0x3: {  	_ = 	snop  }
0x4: {  	_ = 	snop  }
0x5: {  	_ = 	snop  }
0x6: {  	_ = 	snop  }
0x7: {  	_ = 	snop  }
__scs_overlays_trampoline_lowered:
0x8: {  	[smem:$0x3FA8] =	sst s0  }
0x9: {  	[smem:$0x3FA9] =	sst s1  }
0xa: {  	[smem:$0x3FAA] =	sst s2  }
0xb: {  	[smem:$0x3FAB] =	sst s3  }
0xc: {  	[smem:$0x3FAC] =	sst s4  }
0xd: {  	[smem:$0x3FAD] =	sst s5  }
0xe: {  	[smem:$0x3FAE] =	sst s6  }
0xf: {  	[smem:$0x3FAF] =	sst s7  }
0x10: {  	[smem:$0x3FB0] =	sst s8  }
0x11: {  	[smem:$0x3FB1] =	sst s9;
	s0 =	simm.s32 @!p0 $0x0  }
0x12: {  	s1 =	sld [smem:$0x3F97];
	s0 =	simm.s32 @p0 $0x1  }
0x13: {  	[smem:$0x3FB2] =	sst s0;
	s0 =	simm.s32 @!p1 $0x0  }
0x14: {  	s2 =	sld [smem:$0x3F96];
	s0 =	simm.s32 @p1 $0x1  }
0x15: {  	[smem:$0x3FB3] =	sst s0;
	s0 =	simm.s32 @!p2 $0x0  }
0x16: {  	s3 =	sld [smem:$0x3FDB];
	s0 =	simm.s32 @p2 $0x1  }
0x17: {  	s4 =	simm.s32 $0x1BF5;
	[smem:$0x3FB5] =	sst s0  }
0x18: {  	s0 =	sld [smem:$0x3F98];
	_ =	swait.ge [sflag:s4], $0x0  }
0x19: {  	s7 =	sld [smem:$0x3F99]  }
0x1a: {  	s8 =	sadd.s32 $0xFFFFE003, lr  }
0x1b: {  	s9 =	sadd.s32 $0xFFFFFEF7, lr;
	s5 =	simm.s32 $0xFFFFFFFF;
	p2 =	slt.u32 s8, $0xFFFFF086  }
0x1c: {  	p1 =	slt.u32 s9, $0xF7A;
	s5 =	simm.s32 @!p2 $0x0  }
0x1d: {  	s5 =	simm.s32 @p1 $0x1;
	p0 =	seq.s32 s7, s2  }
0x1e: {  	s7 =	smul.u32 @!p0 $0xF7A, s2;
	p2 =	seq.s32 @!p0 s5, $0x0  }
0x1f: {  	s9 =	smul.u32 $0xF7A, s1;
	s8 =	simm.s32 @!p0 $0x1BF5;
	p2 =	por !p2, p0  }
0x20: {  	[sflag:s8] =	ssyncset.s32 @!p0 $0xFFFFF086;
	s6 =	sadd.s32 @!p0 s3, s7;
	s7 =	simm.s32 @!p0 $0x108  }
0x21: {  	s3 =	sadd.s32 s3, s9;
	s6 =	sadd.s32 @!p0 $0x88, s6;
	s7 =	simm.s32 @p2 $0x1082  }
0x22: {  	[simem:s7], [sflag:s8] =	dma.local @!p0 [hbm:s6], $0xF7A  }
0x23: {  	s9 =	sor.u32 $0xD0000000, s2;
	s6 =	simm.s32 $0x108;
	_ =	swait.ge @!p0 [sflag:s8], $0x0  }
0x24: {  	s3 =	sadd.s32 $0x88, s3;
	s6 =	simm.s32 @!p1 $0x1082;
	[sflag:s4] =	ssyncset.s32 $0xFFFFF086  }
0x25: {  	[simem:s6], [sflag:s4] =	dma.local [hbm:s3], $0xF7A  }
0x26: {  	[smem:$0x3F99] =	sst s1;
	(tag) =	ssettag s2;
	_ =	strace s9  }
0x27: {  	s1 =	sld [smem:$0x3FA9]  }
0x28: {  	s2 =	sld [smem:$0x3FAA]  }
0x29: {  	s4 =	sld [smem:$0x3FAC]  }
0x2a: {  	p0 =	seq.s32 s5, $0x0;
	s5 =	sld [smem:$0x3FAD]  }
0x2b: {  	s6 =	sld [smem:$0x3FAE]  }
0x2c: {  	s7 =	sld [smem:$0x3FAF]  }
0x2d: {  	s3 =	simm.s32 $0x108;
	s8 =	sld [smem:$0x3FB0]  }
0x2e: {  	s3 =	simm.s32 @!p0 $0x1082;
	s9 =	sld [smem:$0x3FB1]  }
0x2f: {  	lr =	sadd.s32 s0, s3;
	s0 =	sld [smem:$0x3FA8]  }
0x30: {  	s3 =	sld [smem:$0x3FAB]  }
0x31: {  	[smem:$0x3FB4] =	sst s10  }
0x32: {  	s10 =	sld [smem:$0x3FB2];
	_ =	sdelay $0x3  }
0x33: {  	p0 =	seq.s32 s10, $0x1;
	s10 =	sld [smem:$0x3FB4];
	_ =	sdelay $0x3  }
0x34: {  	[smem:$0x3FB4] =	sst s10  }
0x35: {  	s10 =	sld [smem:$0x3FB3];
	_ =	sdelay $0x3  }
0x36: {  	p1 =	seq.s32 s10, $0x1;
	s10 =	sld [smem:$0x3FB4];
	_ =	sdelay $0x3  }
0x37: {  	[smem:$0x3FB4] =	sst s10  }
0x38: {  	s10 =	sld [smem:$0x3FB5]  }
0x39: {  	_ = 	snop;
	(pc) =	sbr.ind lr, $3  }
0x3a: {  	_ = 	snop  }
0x3b: {  	_ = 	snop  }
0x3c: {  	p2 =	seq.s32 s10, $0x1;
	s10 =	sld [smem:$0x3FB4]  }
0x3d: {  	_ =	shalt  }
0x3e: {  	_ =	shalt  }
0x3f: {  	_ =	shalt  }
0x40: {  	_ =	shalt  }
0x41: {  	_ =	shalt  }
0x42: {  	_ =	shalt  }
0x43: {  	_ =	shalt  }
0x44: {  	_ =	shalt  }
0x45: {  	_ =	shalt  }
0x46: {  	_ =	shalt  }
0x47: {  	_ =	shalt  }
0x48: {  	_ =	shalt  }
0x49: {  	_ =	shalt  }
0x4a: {  	_ =	shalt  }
0x4b: {  	_ =	shalt  }
0x4c: {  	_ =	shalt  }
0x4d: {  	_ =	shalt  }
0x4e: {  	_ =	shalt  }
0x4f: {  	_ =	shalt  }
0x50: {  	_ =	shalt  }
0x51: {  	_ =	shalt  }
0x52: {  	_ =	shalt  }
0x53: {  	_ =	shalt  }
0x54: {  	_ =	shalt  }
0x55: {  	_ =	shalt  }
0x56: {  	_ =	shalt  }
0x57: {  	_ =	shalt  }
0x58: {  	_ =	shalt  }
0x59: {  	_ =	shalt  }
0x5a: {  	_ =	shalt  }
0x5b: {  	_ =	shalt  }
0x5c: {  	_ =	shalt  }
0x5d: {  	_ =	shalt  }
0x5e: {  	_ =	shalt  }
0x5f: {  	_ =	shalt  }
0x60: {  	_ =	shalt  }
0x61: {  	_ =	shalt  }
0x62: {  	_ =	shalt  }
0x63: {  	_ =	shalt  }
0x64: {  	_ =	shalt  }
0x65: {  	_ =	shalt  }
0x66: {  	_ =	shalt  }
0x67: {  	_ =	shalt  }
0x68: {  	_ =	shalt  }
0x69: {  	_ =	shalt  }
0x6a: {  	_ =	shalt  }
0x6b: {  	_ =	shalt  }
0x6c: {  	_ =	shalt  }
0x6d: {  	_ =	shalt  }
0x6e: {  	_ =	shalt  }
0x6f: {  	_ =	shalt  }
0x70: {  	_ =	shalt  }
0x71: {  	_ =	shalt  }
0x72: {  	_ =	shalt  }
0x73: {  	_ =	shalt  }
0x74: {  	_ =	shalt  }
0x75: {  	_ =	shalt  }
0x76: {  	_ =	shalt  }
0x77: {  	_ =	shalt  }
0x78: {  	_ =	shalt  }
0x79: {  	_ =	shalt  }
0x7a: {  	_ =	shalt  }
0x7b: {  	_ =	shalt  }
0x7c: {  	_ =	shalt  }
0x7d: {  	_ =	shalt  }
0x7e: {  	_ =	shalt  }
0x7f: {  	_ =	shalt  }
0x80: {  	_ =	shalt  }
0x81: {  	_ =	shalt  }
0x82: {  	_ =	shalt  }
0x83: {  	_ =	shalt  }
0x84: {  	_ =	shalt  }
0x85: {  	_ =	shalt  }
0x86: {  	_ =	shalt  }
0x87: {  	_ =	shalt  }
.Lfunc_end0:
.L_simem_size_0:
called_computation.1_lowered:
.L_overlay_start_0:
0x88: {  	s2 =	sld [smem:$0x3FD9]  }
0x89: {  	s3 =	sld [smem:$0x3FFE];
	_ =	sdelay $0x1  }
0x8a: {  	s1 =	srdreg.scid  }
0x8b: {  	s0 =	sand.u32 $0x1, s1  }
0x8c: {  	s17 =	sshll.u32 s0, $0xA;
	s2 =	sadd.s32 s3, s2  }
0x8d: {  	s2 =	sadd.s32 s2, s17  }
0x8e: {  	[smem:$0x3FC0] =	sst s2  }
0x8f: {  	_ = 	snop  }
0x90: {  	s18 =	sld [smem:$0x3FD0];
	(tm) =	ssettm $0x1  }
0x91: {  	s19 =	sld [smem:$0x3FFB];
	_ =	sdelay $0x3  }
0x92: {  	_ =	strace s19  }
0x93: {  	s2 =	sld [smem:$0x3FFC];
	_ =	sdelay $0x3  }
0x94: {  	_ =	strace s2  }
0x95: {  	s2 =	sld [smem:$0x3FFD];
	_ =	sdelay $0x3  }
0x96: {  	_ =	strace s2  }
0x97: {  	_ =	strace $0x8FFFFFFF  }
0x98: {  	s20 =	sld [smem:$0x3FDB];
	_ =	sdelay $0x1  }
0x99: {  	s4 =	simm.s32 $_scs_section_size  }
0x9a: {  	s5 =	simm.s32 $_size__tile_overlayer_lowered;
	s6 =	simm.s32 $_tile_overlayer_lowered  }
0x9b: {  	s7 =	simm.s32 $0x1BFF;
	s21 =	sshll.u32 s6, $0x1;
	s4 =	sadd.s32 s4, s20  }
0x9c: {  	s22 =	simm.s32 $0x0;
	s5 =	sshll.u32 s5, $0x1;
	s6 =	sadd.s32 s21, s4  }
0x9d: {  	[timem:s22], [sflag:s7] =	dma.local [hbm:s6], s5  }
0x9e: {  	_ =	swait.ge [sflag:s7], s5  }
0x9f: {  	s5 =	ssub.s32 $0x0, s5;
	[sflag:s7] =	ssyncset.done $0x0  }
0xa0: {  	[sflag:s7] =	ssyncadd.s32 s5;
	_ =	sdelay $0x1  }
0xa1: {  	s23 =	simm.s32 $0x1B8B  }
0xa2: {  	_ =	swait.ge [sflag:s23], $0x1  }
0xa3: {  	[sflag:s23] =	ssyncset.done $0x0  }
0xa4: {  	[sflag:s23] =	ssyncadd.s32 $0xFFFFFFFF  }
0xa5: {  	s5 =	sld [smem:$0x0]  }
0xa6: {  	s6 =	sand.u32 $0xFFFFFFFE, s1  }
0xa7: {  	p0 =	sne.s32 s1, s6  }
0xa8: {  	s6 =	sshll.u32 @p0 s6, $0xE  }
0xa9: {  	s6 =	sadd.s32 @p0 $0x11B8D, s6;
	s7 =	sshll.u32 @p0 s5, $0x11  }
0xaa: {  	s6 =	sor.u32 @p0 s7, s6  }
0xab: {  	[sflag:s6] =	ssyncadd.remote.s32 @p0 $0x1;
	_ =	sdelay $0x1  }
0xac: {  	s6 =	simm.s32 @p0 $0x1B8D  }
0xad: {  	_ =	swait.eq @p0 [sflag:s6], $0x1  }
0xae: {  	[sflag:s6] =	ssyncadd.s32 @p0 $0xFFFFFFFF  }
0xaf: {  	s7 =	sshll.u32 @!p0 s1, $0xE  }
0xb0: {  	s7 =	sor.u32 @!p0 $0x4000, s7;
	s6 =	simm.s32 @!p0 $0x1B8D  }
0xb1: {  	s5 =	sshll.u32 @!p0 s5, $0x11;
	s7 =	sadd.s32 @!p0 $0x11B8D, s7;
	_ =	swait.eq @!p0 [sflag:s6], $0x1  }
0xb2: {  	s5 =	sor.u32 @!p0 s5, s7;
	[sflag:s6] =	ssyncadd.s32 @!p0 $0xFFFFFFFF  }
0xb3: {  	s25 =	simm.s32 $0x1B8E;
	s24 =	sld [smem:$0x3FFE];
	[sflag:s5] =	ssyncadd.remote.s32 @!p0 $0x1  }
0xb4: {  	s26 =	simm.s32 $execute0_lowered;
	[smem:$0x3FD2] =	sst s25  }
0xb5: {  	s6 =	sshll.u32 s26, $0x1;
	_ =	strace $0x80000049;
	[dreg:$0x1] =	wrdreg $0xFFFFFFFF  }
0xb6: {  	s28 =	simm.s32 $_size_execute0_lowered;
	s4 =	sadd.s32 s4, s6;
	[dreg:$0x0] =	wrdreg $0x0  }
0xb7: {  	s6 =	sshll.u32 s28, $0x1;
	[dreg:$0x2] =	wrdreg s4  }
0xb8: {  	[dreg:$0x3] =	wrdreg s6  }
0xb9: {  	[dreg:$0x4] =	wrdreg $0xC0  }
0xba: {  	_ =	task [dreg:s22], $0x5FFFF  }
0xbb: {  	[dreg:$0x1] =	wrdreg $0xFFFFFFFF  }
0xbc: {  	[dreg:$0x0] =	wrdreg $0x60  }
0xbd: {  	[dreg:$0x2] =	wrdreg s24  }
0xbe: {  	[dreg:$0x3] =	wrdreg s18  }
0xbf: {  	[dreg:$0x4] =	wrdreg $0xA  }
0xc0: {  	_ =	task.clear_ibuf [dreg:s22], $0x5FFFF;
	_ =	strace $0x90000049  }
0xc1: {  	s29 =	simm.s32 $0xA;
	_ =	strace $0x8000004B  }
0xc2: {  	_ =	swait.ge [sflag:s29], $0x1  }
0xc3: {  	[sflag:s29] =	ssyncadd.s32 $0xFFFFFFFF  }
0xc4: {  	_ =	strace $0x9000004B  }
0xc5: {  	_ =	sfence  }
0xc6: {  	s30 =	sld [smem:$0x0];
	_ =	sdelay $0x2  }
0xc7: {  	s31 =	sshll.u32 s1, $0xD;
	s1 =	sshrl.u32 s1, $0x2  }
0xc8: {  	s4 =	sand.u32 $0x4000, s31;
	s1 =	sadd.s32 s1, s30  }
0xc9: {  	s0 =	sor.u32 s4, s0;
	s1 =	sshll.u32 s1, $0x11  }
0xca: {  	s0 =	sor.u32 s1, s0  }
0xcb: {  	s0 =	sadd.s32 $0x8F2B, s0  }
0xcc: {  	[sflag:s0] =	ssyncadd.remote.s32 $0x1  }
0xcd: {  	_ =	sfence.sel $0xFFFF  }
0xce: {  	[dreg:$0x0] =	wrdreg $0xFFFFFFFF;
	(pc) =	sbr.abs _section_cstart, $3  }
0xcf: {  	[dreg:$0x1] =	wrdreg $0xFFFFFFFF  }
0xd0: {  	_ =	task.clear_ibuf [dreg:s22], $0x2FFFF;
	_ =	strace $0x9FFFFFFF  }
0xd1: {  	(tm) =	ssettm $0x7FFFFFFF  }
tec
execute0_lowered:
.L_overlay_start_1:
0x0: {  	(tag) =	ssettag $0x1  }
0x1: {  	s1 =	srdreg.scid;
	s6 =	rddreg [dreg:$0x0]  }
0x2: {  	s0 =	stileid.u32;
	s2 =	rddreg [dreg:$0x1];
	s1 =	sshll.u32 s1, $0x5  }
0x3: {  	s7 =	simm.s32 $0x1;
	s3 =	sshll.u32 s0, $0x6;
	s1 =	sand.u32 $0x20, s1  }
0x4: {  	s30 =	simm.s32 $0x2;
	s31 =	simm.s32 $0x3;
	s3 =	sor.u32 s3, s1  }
0x5: {  	s11 =	simm.s32 $0x0;
	s9 =	simm.s32 $0x0;
	s5 =	ssub.s32 $0x800, s3  }
0x6: {  	s4 =	sadd.s32 $0xE00, s6;
	s6 =	sadd.s32 $0x1000, s6;
	s8 =	sand.u32 $0x3E0, s5  }
0x7: {  	s1 =	rddreg [dreg:$0x2];
	_ =	strace $0x8000004A;
	p0 =	sne.s32 s8, $0x0  }
0x8: {  	[sflag:s7] =	ssyncpa.u1 $0x0;
	s5 =	sshrl.u32 s5, $0xA;
	s7 =	simm.s32 @!p0 $0x0  }
0x9: {  	s10 =	smov.u32 s3;
	[sflag:s30] =	ssyncpa.u1 $0x0;
	s5 =	sadd.s32 s7, s5  }
0xa: {  	[sflag:s31] =	ssyncpa.u1 $0x0;
	s8 =	simm.s32 $0x0;
	s7 =	sadd.s32 $0x1, s5  }
.LBB2_1:
0xb: {  	p0 =	sge.u32 s9, s5  }
0xc: {  	s31 =	sadd.s32 $0xFFFFFFFF, s9;
	s12 =	sxor.u32 @!p0 $0xFFFFFFFF, s8;
	s13 =	sshrl.u32 @!p0 s10, $0x3  }
0xd: {  	s14 =	sand.u32 @!p0 $0x7, s10;
	s12 =	sand.u32 @!p0 $0x20, s12;
	s13 =	sadd.s32 @!p0 s2, s13  }
0xe: {  	[tilespmem:s12], [sflag:$0x2] =	stream.linear.gather @!p0 [hbm4b:s13+s14], $0x20, $0x38;
	[tilespmem:$0x80] =	vst v63  }
0xf: {  	p0 =	sge.u32 s31, s5  }
0x10: {  	s12 =	simm.s32 @!p0 $0x2  }
0x11: {  	_ =	swait.ge @!p0 [sflag:s12], $0x20  }
0x12: {  	[sflag:s12] =	ssyncset.done @!p0 $0x0  }
0x13: {  	[sflag:s12] =	ssyncadd.s32 @!p0 $0xFFFFFFE0;
	s12 =	sand.u32 @!p0 $0x20, s8  }
0x14: {  	(ifvalue) =	ssetifvalue @!p0 $0x7FFFFFFF;
	v0 =	vld.msk @!p0 [tilespmem:s12+$0x0 ss:$0x1], $0xffff;
	_ =	sdelay $0x4  }
0x15: {  	vm0 =	vgt.s32 @!p0 v0, $0x0  }
0x16: {  	v0 =	vnsel @!p0 vm0, $0x0, v0  }
0x17: {  	v0 =	vmin.u32 @!p0 v0, $0x7FF;
	_ =	sdelay $0x2  }
0x18: {  	s14 =	simm.s32 @!p0 $0x0  }
0x19: {  	s13 =	sor.u32 @!p0 $0x40, s12;
	(ifvalue) =	ssetifvalue @!p0 $0x7FFFFFFF;
	s15 =	sor.u32 @!p0 $0x10, s12;
	vm0 =	vmmov @!p0 $0xffff  }
0x1a: {  	[tilespmem:s13], [sflag:$0x1] =	stream.indirect_vreg.gather @!p0 [hbm4b:s4+s14], $0x1, v0, vm0, $0x4038;
	[tilespmem:$0x80] =	vst v63  }
0x1b: {  	v0 =	vld.msk @!p0 [tilespmem:s15+$0x0 ss:$0x1], $0xffff;
	_ =	sdelay $0x4  }
0x1c: {  	vm1 =	vgt.s32 @!p0 v0, $0x0  }
0x1d: {  	v0 =	vnsel @!p0 vm1, $0x0, v0  }
0x1e: {  	v0 =	vmin.u32 @!p0 v0, $0x7FF;
	_ =	sdelay $0x3  }
0x1f: {  	s12 =	sor.u32 @!p0 $0x50, s12;
	(ifvalue) =	ssetifvalue @!p0 $0x7FFFFFFF  }
0x20: {  	[tilespmem:s12], [sflag:$0x1] =	stream.indirect_vreg.gather @!p0 [hbm4b:s4+s14], $0x1, v0, vm0, $0x4038;
	[tilespmem:$0x80] =	vst v63  }
0x21: {  	s12 =	simm.s32 @!p0 $0x1  }
0x22: {  	_ =	swait.ge @!p0 [sflag:s12], $0x20  }
0x23: {  	s14 =	sshrl.u32 @!p0 s11, $0x3;
	[sflag:s12] =	ssyncset.done @!p0 $0x0  }
0x24: {  	s11 =	sand.u32 @!p0 $0x7, s11;
	[sflag:s12] =	ssyncadd.s32 @!p0 $0xFFFFFFE0;
	s12 =	sadd.s32 @!p0 s6, s14  }
0x25: {  	[hbm4b:s12+s11] =	stream.linear.scatter @!p0 [tilespmem:s13], [sflag:$0x3], $0x20, $0x38;
	[tilespmem:$0x80] =	vst v63  }
0x26: {  	s13 =	sadd.s32 $0x400, s10  }
0x27: {  	p1 =	sgt.s32 s13, $0x7FF  }
0x28: {  	s13 =	smov.u32 @p1 s3;
	p1 =	sne.s32 s9, s7  }
.Ltmp0:
0x29: {  	p0 =	slt.u32 s9, $0x2;
	(pc) =	sbr.rel @p1 .LBB2_1-.Ltmp0, $4  }
0x2a: {  	s12 =	simm.s32 @!p0 $0x3  }
0x2b: {  	_ =	swait.ge @!p0 [sflag:s12], $0x20  }
0x2c: {  	s8 =	sadd.s32 $0x20, s8;
	s11 =	smov.u32 s10;
	[sflag:s12] =	ssyncset.done @!p0 $0x0  }
0x2d: {  	s9 =	sadd.s32 $0x1, s9;
	s10 =	smov.u32 s13;
	[sflag:s12] =	ssyncadd.s32 @!p0 $0xFFFFFFE0  }
0x2e: {  	_ =	sfence.sel $0x180000  }
0x2f: {  	s2 =	simm.s32 $0x2;
	[bflag:$0x0] =	sbarrier.arrive $0xFFFF  }
0x30: {  	s30 =	simm.s32 $0x3;
	[sflag:s2] =	ssyncpa.u1 $0x1  }
0x31: {  	s31 =	simm.s32 $0x1;
	[sflag:s30] =	ssyncpa.u1 $0x1  }
0x32: {  	[sflag:s31] =	ssyncpa.u1 $0x1  }
0x33: {  	p0 =	sne.s32 s0, $0x0;
	_ =	strace $0x9000004A  }
0x34: {  	s0 =	sadd.s32 @!p0 $0x100000, s1;
	[bflag:$0x2] =	sbarrier.arrive $0xFFFF  }
0x35: {  	[sflag:s0] =	ssyncadd.tile.s32 @!p0 $0x1;
	_ =	shalt  }
.Lfunc_end2:
_tile_overlayer_lowered:
.L_overlay_start_2:
0x36: {  	(tag) =	ssettag $0x2  }
0x37: {  	s0 =	rddreg [dreg:$0x0];
	s2 =	stileid.u32  }
0x38: {  	s1 =	rddreg [dreg:$0x1];
	p0 =	sne.s32 s2, $0x0  }
0x39: {  	s3 =	rddreg [dreg:$0x2];
	[bflag:$0x3] =	sbarrier.arrive $0xFFFF;
	s2 =	simm.s32 @!p0 $0x1C01  }
0x3a: {  	[timem:s3], [sflag:s2] =	dma.local @!p0 [hbm:s0], s1  }
0x3b: {  	s0 =	simm.s32 @!p0 $0x1  }
0x3c: {  	_ =	swait.ge @!p0 [sflag:s0], s1  }
0x3d: {  	s1 =	ssub.s32 @!p0 $0x0, s1;
	[sflag:s0] =	ssyncset.done @!p0 $0x0  }
0x3e: {  	[sflag:s0] =	ssyncadd.s32 @!p0 s1  }
0x3f: {  	[bflag:$0x3] =	sbarrier.arrive $0xFFFF  }
0x40: {  	_ =	shalt  }

// kernel: gather_offload_async_start
scs
__scs_entry_jumppad:
0x0: {  	(pc) =	sbr.rel $0x88, $3  }
0x1: {  	(tag) =	ssettag $0x0;
	lr =	simm.s32 $0x1  }
0x2: {  	[smem:$0x3F99] =	sst lr;
	_ =	strace $0xD0000000  }
0x3: {  	_ = 	snop  }
0x4: {  	_ = 	snop  }
0x5: {  	_ = 	snop  }
0x6: {  	_ = 	snop  }
0x7: {  	_ = 	snop  }
__scs_overlays_trampoline_lowered:
0x8: {  	[smem:$0x3FA8] =	sst s0  }
0x9: {  	[smem:$0x3FA9] =	sst s1  }
0xa: {  	[smem:$0x3FAA] =	sst s2  }
0xb: {  	[smem:$0x3FAB] =	sst s3  }
0xc: {  	[smem:$0x3FAC] =	sst s4  }
0xd: {  	[smem:$0x3FAD] =	sst s5  }
0xe: {  	[smem:$0x3FAE] =	sst s6  }
0xf: {  	[smem:$0x3FAF] =	sst s7  }
0x10: {  	[smem:$0x3FB0] =	sst s8  }
0x11: {  	[smem:$0x3FB1] =	sst s9;
	s0 =	simm.s32 @!p0 $0x0  }
0x12: {  	s1 =	sld [smem:$0x3F97];
	s0 =	simm.s32 @p0 $0x1  }
0x13: {  	[smem:$0x3FB2] =	sst s0;
	s0 =	simm.s32 @!p1 $0x0  }
0x14: {  	s2 =	sld [smem:$0x3F96];
	s0 =	simm.s32 @p1 $0x1  }
0x15: {  	[smem:$0x3FB3] =	sst s0;
	s0 =	simm.s32 @!p2 $0x0  }
0x16: {  	s3 =	sld [smem:$0x3FDB];
	s0 =	simm.s32 @p2 $0x1  }
0x17: {  	s4 =	simm.s32 $0x1BF5;
	[smem:$0x3FB5] =	sst s0  }
0x18: {  	s0 =	sld [smem:$0x3F98];
	_ =	swait.ge [sflag:s4], $0x0  }
0x19: {  	s7 =	sld [smem:$0x3F99]  }
0x1a: {  	s8 =	sadd.s32 $0xFFFFE003, lr  }
0x1b: {  	s9 =	sadd.s32 $0xFFFFFEF7, lr;
	s5 =	simm.s32 $0xFFFFFFFF;
	p2 =	slt.u32 s8, $0xFFFFF086  }
0x1c: {  	p1 =	slt.u32 s9, $0xF7A;
	s5 =	simm.s32 @!p2 $0x0  }
0x1d: {  	s5 =	simm.s32 @p1 $0x1;
	p0 =	seq.s32 s7, s2  }
0x1e: {  	s7 =	smul.u32 @!p0 $0xF7A, s2;
	p2 =	seq.s32 @!p0 s5, $0x0  }
0x1f: {  	s9 =	smul.u32 $0xF7A, s1;
	s8 =	simm.s32 @!p0 $0x1BF5;
	p2 =	por !p2, p0  }
0x20: {  	[sflag:s8] =	ssyncset.s32 @!p0 $0xFFFFF086;
	s6 =	sadd.s32 @!p0 s3, s7;
	s7 =	simm.s32 @!p0 $0x108  }
0x21: {  	s3 =	sadd.s32 s3, s9;
	s6 =	sadd.s32 @!p0 $0x88, s6;
	s7 =	simm.s32 @p2 $0x1082  }
0x22: {  	[simem:s7], [sflag:s8] =	dma.local @!p0 [hbm:s6], $0xF7A  }
0x23: {  	s9 =	sor.u32 $0xD0000000, s2;
	s6 =	simm.s32 $0x108;
	_ =	swait.ge @!p0 [sflag:s8], $0x0  }
0x24: {  	s3 =	sadd.s32 $0x88, s3;
	s6 =	simm.s32 @!p1 $0x1082;
	[sflag:s4] =	ssyncset.s32 $0xFFFFF086  }
0x25: {  	[simem:s6], [sflag:s4] =	dma.local [hbm:s3], $0xF7A  }
0x26: {  	[smem:$0x3F99] =	sst s1;
	(tag) =	ssettag s2;
	_ =	strace s9  }
0x27: {  	s1 =	sld [smem:$0x3FA9]  }
0x28: {  	s2 =	sld [smem:$0x3FAA]  }
0x29: {  	s4 =	sld [smem:$0x3FAC]  }
0x2a: {  	p0 =	seq.s32 s5, $0x0;
	s5 =	sld [smem:$0x3FAD]  }
0x2b: {  	s6 =	sld [smem:$0x3FAE]  }
0x2c: {  	s7 =	sld [smem:$0x3FAF]  }
0x2d: {  	s3 =	simm.s32 $0x108;
	s8 =	sld [smem:$0x3FB0]  }
0x2e: {  	s3 =	simm.s32 @!p0 $0x1082;
	s9 =	sld [smem:$0x3FB1]  }
0x2f: {  	lr =	sadd.s32 s0, s3;
	s0 =	sld [smem:$0x3FA8]  }
0x30: {  	s3 =	sld [smem:$0x3FAB]  }
0x31: {  	[smem:$0x3FB4] =	sst s10  }
0x32: {  	s10 =	sld [smem:$0x3FB2];
	_ =	sdelay $0x3  }
0x33: {  	p0 =	seq.s32 s10, $0x1;
	s10 =	sld [smem:$0x3FB4];
	_ =	sdelay $0x3  }
0x34: {  	[smem:$0x3FB4] =	sst s10  }
0x35: {  	s10 =	sld [smem:$0x3FB3];
	_ =	sdelay $0x3  }
0x36: {  	p1 =	seq.s32 s10, $0x1;
	s10 =	sld [smem:$0x3FB4];
	_ =	sdelay $0x3  }
0x37: {  	[smem:$0x3FB4] =	sst s10  }
0x38: {  	s10 =	sld [smem:$0x3FB5]  }
0x39: {  	_ = 	snop;
	(pc) =	sbr.ind lr, $3  }
0x3a: {  	_ = 	snop  }
0x3b: {  	_ = 	snop  }
0x3c: {  	p2 =	seq.s32 s10, $0x1;
	s10 =	sld [smem:$0x3FB4]  }
0x3d: {  	_ =	shalt  }
0x3e: {  	_ =	shalt  }
0x3f: {  	_ =	shalt  }
0x40: {  	_ =	shalt  }
0x41: {  	_ =	shalt  }
0x42: {  	_ =	shalt  }
0x43: {  	_ =	shalt  }
0x44: {  	_ =	shalt  }
0x45: {  	_ =	shalt  }
0x46: {  	_ =	shalt  }
0x47: {  	_ =	shalt  }
0x48: {  	_ =	shalt  }
0x49: {  	_ =	shalt  }
0x4a: {  	_ =	shalt  }
0x4b: {  	_ =	shalt  }
0x4c: {  	_ =	shalt  }
0x4d: {  	_ =	shalt  }
0x4e: {  	_ =	shalt  }
0x4f: {  	_ =	shalt  }
0x50: {  	_ =	shalt  }
0x51: {  	_ =	shalt  }
0x52: {  	_ =	shalt  }
0x53: {  	_ =	shalt  }
0x54: {  	_ =	shalt  }
0x55: {  	_ =	shalt  }
0x56: {  	_ =	shalt  }
0x57: {  	_ =	shalt  }
0x58: {  	_ =	shalt  }
0x59: {  	_ =	shalt  }
0x5a: {  	_ =	shalt  }
0x5b: {  	_ =	shalt  }
0x5c: {  	_ =	shalt  }
0x5d: {  	_ =	shalt  }
0x5e: {  	_ =	shalt  }
0x5f: {  	_ =	shalt  }
0x60: {  	_ =	shalt  }
0x61: {  	_ =	shalt  }
0x62: {  	_ =	shalt  }
0x63: {  	_ =	shalt  }
0x64: {  	_ =	shalt  }
0x65: {  	_ =	shalt  }
0x66: {  	_ =	shalt  }
0x67: {  	_ =	shalt  }
0x68: {  	_ =	shalt  }
0x69: {  	_ =	shalt  }
0x6a: {  	_ =	shalt  }
0x6b: {  	_ =	shalt  }
0x6c: {  	_ =	shalt  }
0x6d: {  	_ =	shalt  }
0x6e: {  	_ =	shalt  }
0x6f: {  	_ =	shalt  }
0x70: {  	_ =	shalt  }
0x71: {  	_ =	shalt  }
0x72: {  	_ =	shalt  }
0x73: {  	_ =	shalt  }
0x74: {  	_ =	shalt  }
0x75: {  	_ =	shalt  }
0x76: {  	_ =	shalt  }
0x77: {  	_ =	shalt  }
0x78: {  	_ =	shalt  }
0x79: {  	_ =	shalt  }
0x7a: {  	_ =	shalt  }
0x7b: {  	_ =	shalt  }
0x7c: {  	_ =	shalt  }
0x7d: {  	_ =	shalt  }
0x7e: {  	_ =	shalt  }
0x7f: {  	_ =	shalt  }
0x80: {  	_ =	shalt  }
0x81: {  	_ =	shalt  }
0x82: {  	_ =	shalt  }
0x83: {  	_ =	shalt  }
0x84: {  	_ =	shalt  }
0x85: {  	_ =	shalt  }
0x86: {  	_ =	shalt  }
0x87: {  	_ =	shalt  }
.Lfunc_end0:
.L_simem_size_0:
called_computation_lowered:
.L_overlay_start_0:
0x88: {  	s2 =	sld [smem:$0x3FD9]  }
0x89: {  	s3 =	sld [smem:$0x3FFE];
	_ =	sdelay $0x1  }
0x8a: {  	s1 =	srdreg.scid  }
0x8b: {  	s0 =	sand.u32 $0x1, s1  }
0x8c: {  	s17 =	sshll.u32 s0, $0xA;
	s2 =	sadd.s32 s3, s2  }
0x8d: {  	s2 =	sadd.s32 s2, s17  }
0x8e: {  	[smem:$0x3FC0] =	sst s2  }
0x8f: {  	_ = 	snop  }
0x90: {  	s2 =	sld [smem:$0x3FD0];
	(tm) =	ssettm $0x1  }
0x91: {  	s18 =	sld [smem:$0x3FFB];
	_ =	sdelay $0x3  }
0x92: {  	_ =	strace s18  }
0x93: {  	s3 =	sld [smem:$0x3FFC];
	_ =	sdelay $0x3  }
0x94: {  	_ =	strace s3  }
0x95: {  	s3 =	sld [smem:$0x3FFD];
	_ =	sdelay $0x3  }
0x96: {  	_ =	strace s3  }
0x97: {  	_ =	strace $0x8FFFFFFF  }
0x98: {  	s19 =	sld [smem:$0x3FDB];
	_ =	sdelay $0x1  }
0x99: {  	s4 =	simm.s32 $_scs_section_size  }
0x9a: {  	s5 =	simm.s32 $_size__tile_overlayer_lowered;
	s6 =	simm.s32 $_tile_overlayer_lowered  }
0x9b: {  	s22 =	simm.s32 $0x1BFF;
	s21 =	sshll.u32 s6, $0x1;
	s3 =	sadd.s32 s4, s19  }
0x9c: {  	s7 =	simm.s32 $0x0;
	s20 =	sshll.u32 s5, $0x1;
	s5 =	sadd.s32 s21, s3  }
0x9d: {  	[timem:s7], [sflag:s22] =	dma.local [hbm:s5], s20  }
0x9e: {  	_ =	swait.ge [sflag:s22], s20  }
0x9f: {  	s4 =	ssub.s32 $0x0, s20;
	[sflag:s22] =	ssyncset.done $0x0  }
0xa0: {  	[sflag:s22] =	ssyncadd.s32 s4;
	_ =	sdelay $0x1  }
0xa1: {  	s23 =	simm.s32 $0x1B8B  }
0xa2: {  	_ =	swait.ge [sflag:s23], $0x1  }
0xa3: {  	[sflag:s23] =	ssyncset.done $0x0  }
0xa4: {  	s25 =	simm.s32 $0x1B8E;
	s24 =	sld [smem:$0x3FFE];
	[sflag:s23] =	ssyncadd.s32 $0xFFFFFFFF  }
0xa5: {  	s26 =	simm.s32 $execute0_lowered;
	[smem:$0x3FD2] =	sst s25  }
0xa6: {  	s5 =	sshll.u32 s26, $0x1;
	_ =	strace $0x80000046;
	[dreg:$0x1] =	wrdreg $0xFFFFFFFF  }
0xa7: {  	s28 =	simm.s32 $_size_execute0_lowered;
	s3 =	sadd.s32 s3, s5;
	[dreg:$0x0] =	wrdreg $0x0  }
0xa8: {  	s5 =	sshll.u32 s28, $0x1;
	[dreg:$0x2] =	wrdreg s3  }
0xa9: {  	[dreg:$0x3] =	wrdreg s5  }
0xaa: {  	[dreg:$0x4] =	wrdreg $0xC0  }
0xab: {  	_ =	task [dreg:s7], $0x5FFFF  }
0xac: {  	[dreg:$0x1] =	wrdreg $0xFFFFFFFF  }
0xad: {  	[dreg:$0x0] =	wrdreg $0x60  }
0xae: {  	[dreg:$0x2] =	wrdreg s24  }
0xaf: {  	[dreg:$0x3] =	wrdreg s2  }
0xb0: {  	[dreg:$0x4] =	wrdreg $0x9  }
0xb1: {  	_ =	task.clear_ibuf [dreg:s7], $0x5FFFF;
	_ =	strace $0x90000046  }
0xb2: {  	s29 =	simm.s32 $0x9;
	_ =	strace $0x80000048  }
0xb3: {  	_ =	swait.ge [sflag:s29], $0x1  }
0xb4: {  	[sflag:s29] =	ssyncadd.s32 $0xFFFFFFFF  }
0xb5: {  	_ =	strace $0x90000048  }
0xb6: {  	_ =	sfence  }
0xb7: {  	s30 =	sld [smem:$0x0];
	_ =	sdelay $0x2  }
0xb8: {  	s31 =	sshll.u32 s1, $0xD;
	s1 =	sshrl.u32 s1, $0x2  }
0xb9: {  	s3 =	sand.u32 $0x4000, s31;
	s1 =	sadd.s32 s1, s30  }
0xba: {  	s0 =	sor.u32 s3, s0;
	s1 =	sshll.u32 s1, $0x11  }
0xbb: {  	s0 =	sor.u32 s1, s0  }
0xbc: {  	s0 =	sadd.s32 $0x8F2B, s0  }
0xbd: {  	[sflag:s0] =	ssyncadd.remote.s32 $0x1  }
0xbe: {  	_ =	sfence.sel $0xFFFF  }
0xbf: {  	[dreg:$0x0] =	wrdreg $0xFFFFFFFF;
	(pc) =	sbr.abs _section_cstart, $3  }
0xc0: {  	[dreg:$0x1] =	wrdreg $0xFFFFFFFF  }
0xc1: {  	_ =	task.clear_ibuf [dreg:s7], $0x2FFFF;
	_ =	strace $0x9FFFFFFF  }
0xc2: {  	(tm) =	ssettm $0x7FFFFFFF  }
0xc3: {  	_ =	shalt  }
tec
execute0_lowered:
.L_overlay_start_1:
0x0: {  	(tag) =	ssettag $0x1  }
0x1: {  	s1 =	srdreg.scid;
	s6 =	rddreg [dreg:$0x0]  }
0x2: {  	s0 =	stileid.u32;
	s2 =	rddreg [dreg:$0x1];
	s1 =	sshll.u32 s1, $0x5  }
0x3: {  	s7 =	simm.s32 $0x1;
	s3 =	sshll.u32 s0, $0x6;
	s1 =	sand.u32 $0x20, s1  }
0x4: {  	s30 =	simm.s32 $0x2;
	s31 =	simm.s32 $0x3;
	s3 =	sor.u32 s3, s1  }
0x5: {  	s11 =	simm.s32 $0x0;
	s9 =	simm.s32 $0x0;
	s5 =	ssub.s32 $0x800, s3  }
0x6: {  	s4 =	sadd.s32 $0x800, s6;
	s6 =	sadd.s32 $0xC00, s6;
	s8 =	sand.u32 $0x3E0, s5  }
0x7: {  	s1 =	rddreg [dreg:$0x2];
	_ =	strace $0x80000047;
	p0 =	sne.s32 s8, $0x0  }
0x8: {  	[sflag:s7] =	ssyncpa.u1 $0x0;
	s5 =	sshrl.u32 s5, $0xA;
	s7 =	simm.s32 @!p0 $0x0  }
0x9: {  	s10 =	smov.u32 s3;
	[sflag:s30] =	ssyncpa.u1 $0x0;
	s5 =	sadd.s32 s7, s5  }
0xa: {  	[sflag:s31] =	ssyncpa.u1 $0x0;
	s8 =	simm.s32 $0x0;
	s7 =	sadd.s32 $0x1, s5  }
.LBB2_1:
0xb: {  	p0 =	sge.u32 s9, s5  }
0xc: {  	s31 =	sadd.s32 $0xFFFFFFFF, s9;
	s12 =	sxor.u32 @!p0 $0xFFFFFFFF, s8;
	s13 =	sshrl.u32 @!p0 s10, $0x3  }
0xd: {  	s14 =	sand.u32 @!p0 $0x7, s10;
	s12 =	sand.u32 @!p0 $0x20, s12;
	s13 =	sadd.s32 @!p0 s2, s13  }
0xe: {  	[tilespmem:s12], [sflag:$0x2] =	stream.linear.gather @!p0 [hbm4b:s13+s14], $0x20, $0x38;
	[tilespmem:$0x80] =	vst v63  }
0xf: {  	p0 =	sge.u32 s31, s5  }
0x10: {  	s12 =	simm.s32 @!p0 $0x2  }
0x11: {  	_ =	swait.ge @!p0 [sflag:s12], $0x20  }
0x12: {  	[sflag:s12] =	ssyncset.done @!p0 $0x0  }
0x13: {  	[sflag:s12] =	ssyncadd.s32 @!p0 $0xFFFFFFE0;
	s12 =	sand.u32 @!p0 $0x20, s8  }
0x14: {  	(ifvalue) =	ssetifvalue @!p0 $0x7FFFFFFF;
	v0 =	vld.msk @!p0 [tilespmem:s12+$0x0 ss:$0x1], $0xffff;
	_ =	sdelay $0x4  }
0x15: {  	vm0 =	vgt.s32 @!p0 v0, $0x0  }
0x16: {  	v0 =	vnsel @!p0 vm0, $0x0, v0  }
0x17: {  	v0 =	vmin.u32 @!p0 v0, $0x7FF;
	_ =	sdelay $0x2  }
0x18: {  	s14 =	simm.s32 @!p0 $0x0  }
0x19: {  	s13 =	sor.u32 @!p0 $0x40, s12;
	(ifvalue) =	ssetifvalue @!p0 $0x7FFFFFFF;
	s15 =	sor.u32 @!p0 $0x10, s12;
	vm0 =	vmmov @!p0 $0xffff  }
0x1a: {  	[tilespmem:s13], [sflag:$0x1] =	stream.indirect_vreg.gather @!p0 [hbm4b:s4+s14], $0x1, v0, vm0, $0x4038;
	[tilespmem:$0x80] =	vst v63  }
0x1b: {  	v0 =	vld.msk @!p0 [tilespmem:s15+$0x0 ss:$0x1], $0xffff;
	_ =	sdelay $0x4  }
0x1c: {  	vm1 =	vgt.s32 @!p0 v0, $0x0  }
0x1d: {  	v0 =	vnsel @!p0 vm1, $0x0, v0  }
0x1e: {  	v0 =	vmin.u32 @!p0 v0, $0x7FF;
	_ =	sdelay $0x3  }
0x1f: {  	s12 =	sor.u32 @!p0 $0x50, s12;
	(ifvalue) =	ssetifvalue @!p0 $0x7FFFFFFF  }
0x20: {  	[tilespmem:s12], [sflag:$0x1] =	stream.indirect_vreg.gather @!p0 [hbm4b:s4+s14], $0x1, v0, vm0, $0x4038;
	[tilespmem:$0x80] =	vst v63  }
0x21: {  	s12 =	simm.s32 @!p0 $0x1  }
0x22: {  	_ =	swait.ge @!p0 [sflag:s12], $0x20  }
0x23: {  	s14 =	sshrl.u32 @!p0 s11, $0x3;
	[sflag:s12] =	ssyncset.done @!p0 $0x0  }
0x24: {  	s11 =	sand.u32 @!p0 $0x7, s11;
	[sflag:s12] =	ssyncadd.s32 @!p0 $0xFFFFFFE0;
	s12 =	sadd.s32 @!p0 s6, s14  }
0x25: {  	[hbm4b:s12+s11] =	stream.linear.scatter @!p0 [tilespmem:s13], [sflag:$0x3], $0x20, $0x38;
	[tilespmem:$0x80] =	vst v63  }
0x26: {  	s13 =	sadd.s32 $0x400, s10  }
0x27: {  	p1 =	sgt.s32 s13, $0x7FF  }
0x28: {  	s13 =	smov.u32 @p1 s3;
	p1 =	sne.s32 s9, s7  }
.Ltmp0:
0x29: {  	p0 =	slt.u32 s9, $0x2;
	(pc) =	sbr.rel @p1 .LBB2_1-.Ltmp0, $4  }
0x2a: {  	s12 =	simm.s32 @!p0 $0x3  }
0x2b: {  	_ =	swait.ge @!p0 [sflag:s12], $0x20  }
0x2c: {  	s8 =	sadd.s32 $0x20, s8;
	s11 =	smov.u32 s10;
	[sflag:s12] =	ssyncset.done @!p0 $0x0  }
0x2d: {  	s9 =	sadd.s32 $0x1, s9;
	s10 =	smov.u32 s13;
	[sflag:s12] =	ssyncadd.s32 @!p0 $0xFFFFFFE0  }
0x2e: {  	_ =	sfence.sel $0x180000  }
0x2f: {  	s2 =	simm.s32 $0x2;
	[bflag:$0x0] =	sbarrier.arrive $0xFFFF  }
0x30: {  	s30 =	simm.s32 $0x3;
	[sflag:s2] =	ssyncpa.u1 $0x1  }
0x31: {  	s31 =	simm.s32 $0x1;
	[sflag:s30] =	ssyncpa.u1 $0x1  }
0x32: {  	[sflag:s31] =	ssyncpa.u1 $0x1  }
0x33: {  	p0 =	sne.s32 s0, $0x0;
	_ =	strace $0x90000047  }
0x34: {  	s0 =	sadd.s32 @!p0 $0x100000, s1;
	[bflag:$0x2] =	sbarrier.arrive $0xFFFF  }
0x35: {  	[sflag:s0] =	ssyncadd.tile.s32 @!p0 $0x1;
	_ =	shalt  }
.Lfunc_end2:
_tile_overlayer_lowered:
.L_overlay_start_2:
0x36: {  	(tag) =	ssettag $0x2  }
0x37: {  	s0 =	rddreg [dreg:$0x0];
	s2 =	stileid.u32  }
0x38: {  	s1 =	rddreg [dreg:$0x1];
	p0 =	sne.s32 s2, $0x0  }
0x39: {  	s3 =	rddreg [dreg:$0x2];
	[bflag:$0x3] =	sbarrier.arrive $0xFFFF;
	s2 =	simm.s32 @!p0 $0x1C01  }
0x3a: {  	[timem:s3], [sflag:s2] =	dma.local @!p0 [hbm:s0], s1  }
0x3b: {  	s0 =	simm.s32 @!p0 $0x1  }
0x3c: {  	_ =	swait.ge @!p0 [sflag:s0], s1  }
0x3d: {  	s1 =	ssub.s32 @!p0 $0x0, s1;
	[sflag:s0] =	ssyncset.done @!p0 $0x0  }
0x3e: {  	[sflag:s0] =	ssyncadd.s32 @!p0 s1  }
0x3f: {  	[bflag:$0x3] =	sbarrier.arrive $0xFFFF  }
0x40: {  	_ =	shalt  }

// kernel: kernel.10.cloned.1.call-start
scs
__scs_entry_jumppad:
0x0: {  	(pc) =	sbr.rel $0x88, $3  }
0x1: {  	(tag) =	ssettag $0x0;
	lr =	simm.s32 $0x1  }
0x2: {  	[smem:$0x3F99] =	sst lr;
	_ =	strace $0xD0000000  }
0x3: {  	_ = 	snop  }
0x4: {  	_ = 	snop  }
0x5: {  	_ = 	snop  }
0x6: {  	_ = 	snop  }
0x7: {  	_ = 	snop  }
__scs_overlays_trampoline_lowered:
0x8: {  	[smem:$0x3FA8] =	sst s0  }
0x9: {  	[smem:$0x3FA9] =	sst s1  }
0xa: {  	[smem:$0x3FAA] =	sst s2  }
0xb: {  	[smem:$0x3FAB] =	sst s3  }
0xc: {  	[smem:$0x3FAC] =	sst s4  }
0xd: {  	[smem:$0x3FAD] =	sst s5  }
0xe: {  	[smem:$0x3FAE] =	sst s6  }
0xf: {  	[smem:$0x3FAF] =	sst s7  }
0x10: {  	[smem:$0x3FB0] =	sst s8  }
0x11: {  	[smem:$0x3FB1] =	sst s9;
	s0 =	simm.s32 @!p0 $0x0  }
0x12: {  	s1 =	sld [smem:$0x3F97];
	s0 =	simm.s32 @p0 $0x1  }
0x13: {  	[smem:$0x3FB2] =	sst s0;
	s0 =	simm.s32 @!p1 $0x0  }
0x14: {  	s2 =	sld [smem:$0x3F96];
	s0 =	simm.s32 @p1 $0x1  }
0x15: {  	[smem:$0x3FB3] =	sst s0;
	s0 =	simm.s32 @!p2 $0x0  }
0x16: {  	s3 =	sld [smem:$0x3FDB];
	s0 =	simm.s32 @p2 $0x1  }
0x17: {  	s4 =	simm.s32 $0x1BF5;
	[smem:$0x3FB5] =	sst s0  }
0x18: {  	s0 =	sld [smem:$0x3F98];
	_ =	swait.ge [sflag:s4], $0x0  }
0x19: {  	s7 =	sld [smem:$0x3F99]  }
0x1a: {  	s8 =	sadd.s32 $0xFFFFE003, lr  }
0x1b: {  	s9 =	sadd.s32 $0xFFFFFEF7, lr;
	s5 =	simm.s32 $0xFFFFFFFF;
	p2 =	slt.u32 s8, $0xFFFFF086  }
0x1c: {  	p1 =	slt.u32 s9, $0xF7A;
	s5 =	simm.s32 @!p2 $0x0  }
0x1d: {  	s5 =	simm.s32 @p1 $0x1;
	p0 =	seq.s32 s7, s2  }
0x1e: {  	s7 =	smul.u32 @!p0 $0xF7A, s2;
	p2 =	seq.s32 @!p0 s5, $0x0  }
0x1f: {  	s9 =	smul.u32 $0xF7A, s1;
	s8 =	simm.s32 @!p0 $0x1BF5;
	p2 =	por !p2, p0  }
0x20: {  	[sflag:s8] =	ssyncset.s32 @!p0 $0xFFFFF086;
	s6 =	sadd.s32 @!p0 s3, s7;
	s7 =	simm.s32 @!p0 $0x108  }
0x21: {  	s3 =	sadd.s32 s3, s9;
	s6 =	sadd.s32 @!p0 $0x88, s6;
	s7 =	simm.s32 @p2 $0x1082  }
0x22: {  	[simem:s7], [sflag:s8] =	dma.local @!p0 [hbm:s6], $0xF7A  }
0x23: {  	s9 =	sor.u32 $0xD0000000, s2;
	s6 =	simm.s32 $0x108;
	_ =	swait.ge @!p0 [sflag:s8], $0x0  }
0x24: {  	s3 =	sadd.s32 $0x88, s3;
	s6 =	simm.s32 @!p1 $0x1082;
	[sflag:s4] =	ssyncset.s32 $0xFFFFF086  }
0x25: {  	[simem:s6], [sflag:s4] =	dma.local [hbm:s3], $0xF7A  }
0x26: {  	[smem:$0x3F99] =	sst s1;
	(tag) =	ssettag s2;
	_ =	strace s9  }
0x27: {  	s1 =	sld [smem:$0x3FA9]  }
0x28: {  	s2 =	sld [smem:$0x3FAA]  }
0x29: {  	s4 =	sld [smem:$0x3FAC]  }
0x2a: {  	p0 =	seq.s32 s5, $0x0;
	s5 =	sld [smem:$0x3FAD]  }
0x2b: {  	s6 =	sld [smem:$0x3FAE]  }
0x2c: {  	s7 =	sld [smem:$0x3FAF]  }
0x2d: {  	s3 =	simm.s32 $0x108;
	s8 =	sld [smem:$0x3FB0]  }
0x2e: {  	s3 =	simm.s32 @!p0 $0x1082;
	s9 =	sld [smem:$0x3FB1]  }
0x2f: {  	lr =	sadd.s32 s0, s3;
	s0 =	sld [smem:$0x3FA8]  }
0x30: {  	s3 =	sld [smem:$0x3FAB]  }
0x31: {  	[smem:$0x3FB4] =	sst s10  }
0x32: {  	s10 =	sld [smem:$0x3FB2];
	_ =	sdelay $0x3  }
0x33: {  	p0 =	seq.s32 s10, $0x1;
	s10 =	sld [smem:$0x3FB4];
	_ =	sdelay $0x3  }
0x34: {  	[smem:$0x3FB4] =	sst s10  }
0x35: {  	s10 =	sld [smem:$0x3FB3];
	_ =	sdelay $0x3  }
0x36: {  	p1 =	seq.s32 s10, $0x1;
	s10 =	sld [smem:$0x3FB4];
	_ =	sdelay $0x3  }
0x37: {  	[smem:$0x3FB4] =	sst s10  }
0x38: {  	s10 =	sld [smem:$0x3FB5]  }
0x39: {  	_ = 	snop;
	(pc) =	sbr.ind lr, $3  }
0x3a: {  	_ = 	snop  }
0x3b: {  	_ = 	snop  }
0x3c: {  	p2 =	seq.s32 s10, $0x1;
	s10 =	sld [smem:$0x3FB4]  }
0x3d: {  	_ =	shalt  }
0x3e: {  	_ =	shalt  }
0x3f: {  	_ =	shalt  }
0x40: {  	_ =	shalt  }
0x41: {  	_ =	shalt  }
0x42: {  	_ =	shalt  }
0x43: {  	_ =	shalt  }
0x44: {  	_ =	shalt  }
0x45: {  	_ =	shalt  }
0x46: {  	_ =	shalt  }
0x47: {  	_ =	shalt  }
0x48: {  	_ =	shalt  }
0x49: {  	_ =	shalt  }
0x4a: {  	_ =	shalt  }
0x4b: {  	_ =	shalt  }
0x4c: {  	_ =	shalt  }
0x4d: {  	_ =	shalt  }
0x4e: {  	_ =	shalt  }
0x4f: {  	_ =	shalt  }
0x50: {  	_ =	shalt  }
0x51: {  	_ =	shalt  }
0x52: {  	_ =	shalt  }
0x53: {  	_ =	shalt  }
0x54: {  	_ =	shalt  }
0x55: {  	_ =	shalt  }
0x56: {  	_ =	shalt  }
0x57: {  	_ =	shalt  }
0x58: {  	_ =	shalt  }
0x59: {  	_ =	shalt  }
0x5a: {  	_ =	shalt  }
0x5b: {  	_ =	shalt  }
0x5c: {  	_ =	shalt  }
0x5d: {  	_ =	shalt  }
0x5e: {  	_ =	shalt  }
0x5f: {  	_ =	shalt  }
0x60: {  	_ =	shalt  }
0x61: {  	_ =	shalt  }
0x62: {  	_ =	shalt  }
0x63: {  	_ =	shalt  }
0x64: {  	_ =	shalt  }
0x65: {  	_ =	shalt  }
0x66: {  	_ =	shalt  }
0x67: {  	_ =	shalt  }
0x68: {  	_ =	shalt  }
0x69: {  	_ =	shalt  }
0x6a: {  	_ =	shalt  }
0x6b: {  	_ =	shalt  }
0x6c: {  	_ =	shalt  }
0x6d: {  	_ =	shalt  }
0x6e: {  	_ =	shalt  }
0x6f: {  	_ =	shalt  }
0x70: {  	_ =	shalt  }
0x71: {  	_ =	shalt  }
0x72: {  	_ =	shalt  }
0x73: {  	_ =	shalt  }
0x74: {  	_ =	shalt  }
0x75: {  	_ =	shalt  }
0x76: {  	_ =	shalt  }
0x77: {  	_ =	shalt  }
0x78: {  	_ =	shalt  }
0x79: {  	_ =	shalt  }
0x7a: {  	_ =	shalt  }
0x7b: {  	_ =	shalt  }
0x7c: {  	_ =	shalt  }
0x7d: {  	_ =	shalt  }
0x7e: {  	_ =	shalt  }
0x7f: {  	_ =	shalt  }
0x80: {  	_ =	shalt  }
0x81: {  	_ =	shalt  }
0x82: {  	_ =	shalt  }
0x83: {  	_ =	shalt  }
0x84: {  	_ =	shalt  }
0x85: {  	_ =	shalt  }
0x86: {  	_ =	shalt  }
0x87: {  	_ =	shalt  }
.Lfunc_end0:
.L_simem_size_0:
called_computation.3_lowered:
.L_overlay_start_0:
0x88: {  	s2 =	sld [smem:$0x3FD9]  }
0x89: {  	s3 =	sld [smem:$0x3FFE];
	_ =	sdelay $0x1  }
0x8a: {  	s1 =	srdreg.scid  }
0x8b: {  	s0 =	sand.u32 $0x1, s1  }
0x8c: {  	s17 =	sshll.u32 s0, $0xA;
	s2 =	sadd.s32 s3, s2  }
0x8d: {  	s2 =	sadd.s32 s2, s17  }
0x8e: {  	[smem:$0x3FC0] =	sst s2  }
0x8f: {  	_ = 	snop  }
0x90: {  	s2 =	sld [smem:$0x3FD0];
	(tm) =	ssettm $0x1  }
0x91: {  	s18 =	sld [smem:$0x3FFB];
	_ =	sdelay $0x3  }
0x92: {  	_ =	strace s18  }
0x93: {  	s3 =	sld [smem:$0x3FFC];
	_ =	sdelay $0x3  }
0x94: {  	_ =	strace s3  }
0x95: {  	s3 =	sld [smem:$0x3FFD];
	_ =	sdelay $0x3  }
0x96: {  	_ =	strace s3  }
0x97: {  	_ =	strace $0x8FFFFFFF  }
0x98: {  	s19 =	sld [smem:$0x3FDB];
	_ =	sdelay $0x1  }
0x99: {  	s4 =	simm.s32 $_scs_section_size  }
0x9a: {  	s5 =	simm.s32 $_size__tile_overlayer_lowered;
	s6 =	simm.s32 $_tile_overlayer_lowered  }
0x9b: {  	s22 =	simm.s32 $0x1BFF;
	s21 =	sshll.u32 s6, $0x1;
	s3 =	sadd.s32 s4, s19  }
0x9c: {  	s7 =	simm.s32 $0x0;
	s20 =	sshll.u32 s5, $0x1;
	s5 =	sadd.s32 s21, s3  }
0x9d: {  	[timem:s7], [sflag:s22] =	dma.local [hbm:s5], s20  }
0x9e: {  	_ =	swait.ge [sflag:s22], s20  }
0x9f: {  	s4 =	ssub.s32 $0x0, s20;
	[sflag:s22] =	ssyncset.done $0x0  }
0xa0: {  	[sflag:s22] =	ssyncadd.s32 s4;
	_ =	sdelay $0x1  }
0xa1: {  	s23 =	simm.s32 $0x1B8B  }
0xa2: {  	_ =	swait.ge [sflag:s23], $0x1  }
0xa3: {  	[sflag:s23] =	ssyncset.done $0x0  }
0xa4: {  	s25 =	simm.s32 $0x1B8E;
	s24 =	sld [smem:$0x3FFE];
	[sflag:s23] =	ssyncadd.s32 $0xFFFFFFFF  }
0xa5: {  	s26 =	simm.s32 $execute0_lowered;
	[smem:$0x3FD2] =	sst s25  }
0xa6: {  	s5 =	sshll.u32 s26, $0x1;
	_ =	strace $0x8000004F;
	[dreg:$0x1] =	wrdreg $0xFFFFFFFF  }
0xa7: {  	s28 =	simm.s32 $_size_execute0_lowered;
	s3 =	sadd.s32 s3, s5;
	[dreg:$0x0] =	wrdreg $0x0  }
0xa8: {  	s5 =	sshll.u32 s28, $0x1;
	[dreg:$0x2] =	wrdreg s3  }
0xa9: {  	[dreg:$0x3] =	wrdreg s5  }
0xaa: {  	[dreg:$0x4] =	wrdreg $0xC0  }
0xab: {  	_ =	task [dreg:s7], $0x5FFFF  }
0xac: {  	[dreg:$0x1] =	wrdreg $0xFFFFFFFF  }
0xad: {  	[dreg:$0x0] =	wrdreg $0x60  }
0xae: {  	[dreg:$0x2] =	wrdreg s24  }
0xaf: {  	[dreg:$0x3] =	wrdreg s2  }
0xb0: {  	[dreg:$0x4] =	wrdreg $0x9  }
0xb1: {  	_ =	task.clear_ibuf [dreg:s7], $0x5FFFF;
	_ =	strace $0x9000004F  }
0xb2: {  	s29 =	simm.s32 $0x9;
	_ =	strace $0x80000051  }
0xb3: {  	_ =	swait.ge [sflag:s29], $0x1  }
0xb4: {  	[sflag:s29] =	ssyncadd.s32 $0xFFFFFFFF  }
0xb5: {  	_ =	strace $0x90000051  }
0xb6: {  	_ =	sfence  }
0xb7: {  	s30 =	sld [smem:$0x0];
	_ =	sdelay $0x2  }
0xb8: {  	s31 =	sshll.u32 s1, $0xD;
	s1 =	sshrl.u32 s1, $0x2  }
0xb9: {  	s3 =	sand.u32 $0x4000, s31;
	s1 =	sadd.s32 s1, s30  }
0xba: {  	s0 =	sor.u32 s3, s0;
	s1 =	sshll.u32 s1, $0x11  }
0xbb: {  	s0 =	sor.u32 s1, s0  }
0xbc: {  	s0 =	sadd.s32 $0x8F2B, s0  }
0xbd: {  	[sflag:s0] =	ssyncadd.remote.s32 $0x1  }
0xbe: {  	_ =	sfence.sel $0xFFFF  }
0xbf: {  	[dreg:$0x0] =	wrdreg $0xFFFFFFFF;
	(pc) =	sbr.abs _section_cstart, $3  }
0xc0: {  	[dreg:$0x1] =	wrdreg $0xFFFFFFFF  }
0xc1: {  	_ =	task.clear_ibuf [dreg:s7], $0x2FFFF;
	_ =	strace $0x9FFFFFFF  }
0xc2: {  	(tm) =	ssettm $0x7FFFFFFF  }
0xc3: {  	_ =	shalt  }
tec
execute0_lowered:
.L_overlay_start_1:
0x0: {  	(tag) =	ssettag $0x1  }
0x1: {  	s1 =	srdreg.scid  }
0x2: {  	s0 =	stileid.u32;
	s4 =	rddreg [dreg:$0x0]  }
0x3: {  	s2 =	rddreg [dreg:$0x1];
	s18 =	simm.s32 $0x880;
	s19 =	simm.s32 $0x1080  }
0x4: {  	s20 =	simm.s32 $0x1880;
	s22 =	simm.s32 $0x2080;
	s23 =	simm.s32 $0x2880  }
0x5: {  	s24 =	simm.s32 $0x3080;
	s7 =	simm.s32 $0x3880;
	s8 =	simm.s32 $0x4080  }
0x6: {  	s25 =	simm.s32 $0x4880;
	s26 =	simm.s32 $0x5080;
	s1 =	sand.u32 $0x1, s1  }
0x7: {  	s9 =	simm.s32 $0x80;
	s3 =	sshll.u32 s0, $0x7;
	s5 =	sshll.u32 s1, $0x6  }
0x8: {  	s11 =	simm.s32 $0x6080;
	s5 =	sor.u32 s5, s3;
	s3 =	simm.s32 $0x0  }
0x9: {  	s12 =	simm.s32 $0x6880;
	s13 =	simm.s32 $0x7080;
	[smem:$0x7FF] =	sst s3  }
0xa: {  	s14 =	simm.s32 $0x7880;
	_ =	strace $0x80000050;
	[dreg:$0x5] =	wrdreg s18  }
0xb: {  	s15 =	simm.s32 $0x8080;
	s16 =	simm.s32 $0x8880;
	[dreg:$0x6] =	wrdreg s19  }
0xc: {  	s28 =	simm.s32 $0xE080;
	s29 =	simm.s32 $0xE880;
	[dreg:$0x7] =	wrdreg s20  }
0xd: {  	s30 =	simm.s32 $0xF080;
	s1 =	ssub.s32 $0x2, s1;
	[dreg:$0x8] =	wrdreg s22  }
0xe: {  	s31 =	simm.s32 $0xF880;
	s21 =	sshrl.u32 s1, $0x1;
	[dreg:$0x9] =	wrdreg s23  }
0xf: {  	s6 =	sshrl.u32 s5, $0x3;
	s5 =	sshll.u32 s5, $0x7;
	[dreg:$0xa] =	wrdreg s24  }
0x10: {  	s1 =	ssub.s32 s1, s21;
	s21 =	simm.s32 $0xB080;
	[dreg:$0xb] =	wrdreg s7  }
0x11: {  	s6 =	sadd.s32 s6, s4;
	s4 =	sadd.s32 s5, s4;
	[dreg:$0xc] =	wrdreg s8  }
0x12: {  	s5 =	sadd.s32 $0x200, s2;
	s7 =	smax.u32 s1, $0x1;
	[dreg:$0xd] =	wrdreg s25  }
0x13: {  	s8 =	simm.s32 $0x2;
	[dreg:$0xe] =	wrdreg s26;
	s18 =	simm.s32 $0x9880  }
0x14: {  	s19 =	simm.s32 $0xA080;
	s20 =	simm.s32 $0xA880;
	s22 =	simm.s32 $0xB880  }
0x15: {  	s23 =	simm.s32 $0xC080;
	s24 =	simm.s32 $0xC880;
	s25 =	simm.s32 $0xD080  }
0x16: {  	v2 =	vlaneseq.u32;
	s26 =	simm.s32 $0xD880;
	s1 =	simm.s32 $0x1;
	s17 =	sadd.s32 $0xA00, s6  }
0x17: {  	vm0 =	vmmov $0xffff;
	v1 =	vshrl.u32 v2, $0x3;
	s4 =	sadd.s32 $0xC00, s4;
	s6 =	sadd.s32 $0x300, s2;
	[dreg:$0x3] =	wrdreg s17  }
0x18: {  	v0 =	vand.u32 $0x7, v2;
	v2 =	vor.u32 $0x8, v2;
	v1 =	vmul.u32 $0x8, v1;
	[dreg:$0x4] =	wrdreg s4;
	s4 =	sadd.s32 $0x100, s2;
	s17 =	simm.s32 $0x9080  }
.LBB2_1:
0x19: {  	s0 =	rddreg [dreg:$0x3]  }
0x1a: {  	[tilespmem:s3], [sflag:$0x2] =	stream.linear.gather [hbm4b:s0+s3], $0x40, $0x38;
	[tilespmem:$0x10080] =	vst v63  }
0x1b: {  	_ =	swait.ge [sflag:s8], $0x40  }
0x1c: {  	[sflag:s8] =	ssyncset.done $0x0  }
0x1d: {  	s10 =	rddreg [dreg:$0x4];
	[sflag:s8] =	ssyncadd.s32 $0xFFFFFFC0  }
0x1e: {  	[tilespmem:s9], [sflag:$0x2] =	stream.linear.gather [hbm4b:s10+s3], $0x10000, $0x38;
	[tilespmem:$0x10080] =	vst v63  }
0x1f: {  	_ =	swait.ge [sflag:s8], $0x10000  }
0x20: {  	[sflag:s8] =	ssyncset.done $0x0  }
0x21: {  	[sflag:s8] =	ssyncadd.s32 $0xFFFF0000  }
0x22: {  	v3 =	vld [tilespmem:$0x0];
	_ =	sdelay $0x4  }
0x23: {  	v4 =	vshll.u32 v3, $0x3  }
0x24: {  	v3 =	vand.u32 $0x7, v3;
	v4 =	vand.u32 $0xFFFFFFC0, v4  }
0x25: {  	v3 =	vor.u32 v3, v4  }
0x26: {  	v4 =	vperm.xlane v3, v0;
	_ =	sdelay $0x1  }
0x27: {  	v4 =	vadd.s32 v1, v4;
	_ =	sdelay $0x4  }
0x28: {  	[hbm4b:s2+s3] =	stream.indirect_vreg.scatter [tilespmem:s9], [sflag:$0x1], $0x80, v4, vm0, $0xb8;
	[tilespmem:$0x10080] =	vst v63  }
0x29: {  	s0 =	rddreg [dreg:$0x5];
	v3 =	vperm.xlane v3, v2  }
0x2a: {  	[hbm4b:s4+s3] =	stream.indirect_vreg.scatter [tilespmem:s0], [sflag:$0x1], $0x80, v4, vm0, $0xb8;
	[tilespmem:$0x10080] =	vst v63  }
0x2b: {  	s10 =	rddreg [dreg:$0x6];
	v3 =	vadd.s32 v1, v3  }
0x2c: {  	[hbm4b:s5+s3] =	stream.indirect_vreg.scatter [tilespmem:s10], [sflag:$0x1], $0x80, v4, vm0, $0xb8;
	[tilespmem:$0x10080] =	vst v63  }
0x2d: {  	s0 =	rddreg [dreg:$0x7]  }
0x2e: {  	[hbm4b:s6+s3] =	stream.indirect_vreg.scatter [tilespmem:s0], [sflag:$0x1], $0x80, v4, vm0, $0xb8;
	[tilespmem:$0x10080] =	vst v63  }
0x2f: {  	s10 =	rddreg [dreg:$0x8]  }
0x30: {  	[hbm4b:s2+s3] =	stream.indirect_vreg.scatter [tilespmem:s10], [sflag:$0x1], $0x80, v3, vm0, $0xb8;
	[tilespmem:$0x10080] =	vst v63  }
0x31: {  	s0 =	rddreg [dreg:$0x9]  }
0x32: {  	[hbm4b:s4+s3] =	stream.indirect_vreg.scatter [tilespmem:s0], [sflag:$0x1], $0x80, v3, vm0, $0xb8;
	[tilespmem:$0x10080] =	vst v63  }
0x33: {  	s10 =	rddreg [dreg:$0xa]  }
0x34: {  	[hbm4b:s5+s3] =	stream.indirect_vreg.scatter [tilespmem:s10], [sflag:$0x1], $0x80, v3, vm0, $0xb8;
	[tilespmem:$0x10080] =	vst v63  }
0x35: {  	s0 =	rddreg [dreg:$0xb]  }
0x36: {  	[hbm4b:s6+s3] =	stream.indirect_vreg.scatter [tilespmem:s0], [sflag:$0x1], $0x80, v3, vm0, $0xb8;
	[tilespmem:$0x10080] =	vst v63  }
0x37: {  	v3 =	vld [tilespmem:$0x10];
	_ =	sdelay $0x4  }
0x38: {  	v61 =	vshll.u32 v3, $0x3  }
0x39: {  	v3 =	vand.u32 $0x7, v3;
	v4 =	vand.u32 $0xFFFFFFC0, v61  }
0x3a: {  	v3 =	vor.u32 v3, v4  }
0x3b: {  	v4 =	vperm.xlane v3, v0;
	_ =	sdelay $0x1  }
0x3c: {  	v4 =	vadd.s32 v1, v4;
	_ =	sdelay $0x3  }
0x3d: {  	s0 =	rddreg [dreg:$0xc]  }
0x3e: {  	[hbm4b:s2+s3] =	stream.indirect_vreg.scatter [tilespmem:s0], [sflag:$0x1], $0x80, v4, vm0, $0xb8;
	[tilespmem:$0x10080] =	vst v63  }
0x3f: {  	s10 =	rddreg [dreg:$0xd];
	v3 =	vperm.xlane v3, v2  }
0x40: {  	[hbm4b:s4+s3] =	stream.indirect_vreg.scatter [tilespmem:s10], [sflag:$0x1], $0x80, v4, vm0, $0xb8;
	[tilespmem:$0x10080] =	vst v63  }
0x41: {  	v3 =	vadd.s32 v1, v3;
	s0 =	rddreg [dreg:$0xe]  }
0x42: {  	[hbm4b:s5+s3] =	stream.indirect_vreg.scatter [tilespmem:s0], [sflag:$0x1], $0x80, v4, vm0, $0xb8;
	[tilespmem:$0x10080] =	vst v63  }
0x43: {  	s10 =	simm.s32 $0x5880  }
0x44: {  	[hbm4b:s6+s3] =	stream.indirect_vreg.scatter [tilespmem:s10], [sflag:$0x1], $0x80, v4, vm0, $0xb8;
	[tilespmem:$0x10080] =	vst v63  }
0x45: {  	_ = 	snop  }
0x46: {  	[hbm4b:s2+s3] =	stream.indirect_vreg.scatter [tilespmem:s11], [sflag:$0x1], $0x80, v3, vm0, $0xb8;
	[tilespmem:$0x10080] =	vst v63  }
0x47: {  	_ = 	snop  }
0x48: {  	[hbm4b:s4+s3] =	stream.indirect_vreg.scatter [tilespmem:s12], [sflag:$0x1], $0x80, v3, vm0, $0xb8;
	[tilespmem:$0x10080] =	vst v63  }
0x49: {  	_ = 	snop  }
0x4a: {  	[hbm4b:s5+s3] =	stream.indirect_vreg.scatter [tilespmem:s13], [sflag:$0x1], $0x80, v3, vm0, $0xb8;
	[tilespmem:$0x10080] =	vst v63  }
0x4b: {  	_ = 	snop  }
0x4c: {  	[hbm4b:s6+s3] =	stream.indirect_vreg.scatter [tilespmem:s14], [sflag:$0x1], $0x80, v3, vm0, $0xb8;
	[tilespmem:$0x10080] =	vst v63  }
0x4d: {  	v3 =	vld [tilespmem:$0x20];
	_ =	sdelay $0x4  }
0x4e: {  	v62 =	vshll.u32 v3, $0x3  }
0x4f: {  	v3 =	vand.u32 $0x7, v3;
	v4 =	vand.u32 $0xFFFFFFC0, v62  }
0x50: {  	v3 =	vor.u32 v3, v4  }
0x51: {  	v4 =	vperm.xlane v3, v0;
	_ =	sdelay $0x1  }
0x52: {  	v4 =	vadd.s32 v1, v4;
	_ =	sdelay $0x4  }
0x53: {  	[hbm4b:s2+s3] =	stream.indirect_vreg.scatter [tilespmem:s15], [sflag:$0x1], $0x80, v4, vm0, $0xb8;
	[tilespmem:$0x10080] =	vst v63  }
0x54: {  	v3 =	vperm.xlane v3, v2  }
0x55: {  	[hbm4b:s4+s3] =	stream.indirect_vreg.scatter [tilespmem:s16], [sflag:$0x1], $0x80, v4, vm0, $0xb8;
	[tilespmem:$0x10080] =	vst v63  }
0x56: {  	v3 =	vadd.s32 v1, v3  }
0x57: {  	[hbm4b:s5+s3] =	stream.indirect_vreg.scatter [tilespmem:s17], [sflag:$0x1], $0x80, v4, vm0, $0xb8;
	[tilespmem:$0x10080] =	vst v63  }
0x58: {  	_ = 	snop  }
0x59: {  	[hbm4b:s6+s3] =	stream.indirect_vreg.scatter [tilespmem:s18], [sflag:$0x1], $0x80, v4, vm0, $0xb8;
	[tilespmem:$0x10080] =	vst v63  }
0x5a: {  	_ = 	snop  }
0x5b: {  	[hbm4b:s2+s3] =	stream.indirect_vreg.scatter [tilespmem:s19], [sflag:$0x1], $0x80, v3, vm0, $0xb8;
	[tilespmem:$0x10080] =	vst v63  }
0x5c: {  	_ = 	snop  }
0x5d: {  	[hbm4b:s4+s3] =	stream.indirect_vreg.scatter [tilespmem:s20], [sflag:$0x1], $0x80, v3, vm0, $0xb8;
	[tilespmem:$0x10080] =	vst v63  }
0x5e: {  	_ = 	snop  }
0x5f: {  	[hbm4b:s5+s3] =	stream.indirect_vreg.scatter [tilespmem:s21], [sflag:$0x1], $0x80, v3, vm0, $0xb8;
	[tilespmem:$0x10080] =	vst v63  }
0x60: {  	_ = 	snop  }
0x61: {  	[hbm4b:s6+s3] =	stream.indirect_vreg.scatter [tilespmem:s22], [sflag:$0x1], $0x80, v3, vm0, $0xb8;
	[tilespmem:$0x10080] =	vst v63  }
0x62: {  	v3 =	vld [tilespmem:$0x30];
	_ =	sdelay $0x4  }
0x63: {  	v63 =	vshll.u32 v3, $0x3  }
0x64: {  	v3 =	vand.u32 $0x7, v3;
	v4 =	vand.u32 $0xFFFFFFC0, v63  }
0x65: {  	v3 =	vor.u32 v3, v4  }
0x66: {  	v4 =	vperm.xlane v3, v0;
	_ =	sdelay $0x1  }
0x67: {  	v4 =	vadd.s32 v1, v4;
	_ =	sdelay $0x4  }
0x68: {  	[hbm4b:s2+s3] =	stream.indirect_vreg.scatter [tilespmem:s23], [sflag:$0x1], $0x80, v4, vm0, $0xb8;
	[tilespmem:$0x10080] =	vst v63  }
0x69: {  	v3 =	vperm.xlane v3, v2  }
0x6a: {  	[hbm4b:s4+s3] =	stream.indirect_vreg.scatter [tilespmem:s24], [sflag:$0x1], $0x80, v4, vm0, $0xb8;
	[tilespmem:$0x10080] =	vst v63  }
0x6b: {  	v3 =	vadd.s32 v1, v3  }
0x6c: {  	[hbm4b:s5+s3] =	stream.indirect_vreg.scatter [tilespmem:s25], [sflag:$0x1], $0x80, v4, vm0, $0xb8;
	[tilespmem:$0x10080] =	vst v63  }
0x6d: {  	_ = 	snop  }
0x6e: {  	[hbm4b:s6+s3] =	stream.indirect_vreg.scatter [tilespmem:s26], [sflag:$0x1], $0x80, v4, vm0, $0xb8;
	[tilespmem:$0x10080] =	vst v63  }
0x6f: {  	_ = 	snop  }
0x70: {  	[hbm4b:s2+s3] =	stream.indirect_vreg.scatter [tilespmem:s28], [sflag:$0x1], $0x80, v3, vm0, $0xb8;
	[tilespmem:$0x10080] =	vst v63  }
0x71: {  	_ = 	snop  }
0x72: {  	[hbm4b:s4+s3] =	stream.indirect_vreg.scatter [tilespmem:s29], [sflag:$0x1], $0x80, v3, vm0, $0xb8;
	[tilespmem:$0x10080] =	vst v63  }
0x73: {  	p0 =	sne.s32 s7, $0x1  }
0x74: {  	[hbm4b:s5+s3] =	stream.indirect_vreg.scatter [tilespmem:s30], [sflag:$0x1], $0x80, v3, vm0, $0xb8;
	[tilespmem:$0x10080] =	vst v63  }
.Ltmp0:
0x75: {  	_ = 	snop;
	(pc) =	sbr.rel @p0 .LBB2_1-.Ltmp0, $4  }
0x76: {  	[hbm4b:s6+s3] =	stream.indirect_vreg.scatter [tilespmem:s31], [sflag:$0x1], $0x80, v3, vm0, $0xb8;
	[tilespmem:$0x10080] =	vst v63  }
0x77: {  	_ =	swait.ge [sflag:s1], $0x10000  }
0x78: {  	[sflag:s1] =	ssyncset.done $0x0  }
0x79: {  	s7 =	sadd.s32 $0xFFFFFFFF, s7;
	[sflag:s1] =	ssyncadd.s32 $0xFFFF0000  }
0x7a: {  	_ =	sfence.sel $0x180000  }
0x7b: {  	[bflag:$0x0] =	sbarrier.arrive $0xFFFF  }
0x7c: {  	_ =	strace $0x90000050  }
0x7d: {  	s0 =	stileid.u32;
	[bflag:$0x2] =	sbarrier.arrive $0xFFFF  }
0x7e: {  	p0 =	sne.s32 s0, $0x0;
	s0 =	rddreg [dreg:$0x2]  }
0x7f: {  	s0 =	sadd.s32 @!p0 $0x100000, s0  }
0x80: {  	[sflag:s0] =	ssyncadd.tile.s32 @!p0 $0x1;
	_ =	shalt  }
.Lfunc_end2:
_tile_overlayer_lowered:
.L_overlay_start_2:
0x81: {  	(tag) =	ssettag $0x2  }
0x82: {  	s0 =	rddreg [dreg:$0x0];
	s2 =	stileid.u32  }
0x83: {  	s1 =	rddreg [dreg:$0x1];
	p0 =	sne.s32 s2, $0x0  }
0x84: {  	s3 =	rddreg [dreg:$0x2];
	[bflag:$0x3] =	sbarrier.arrive $0xFFFF;
	s2 =	simm.s32 @!p0 $0x1C02  }
0x85: {  	[timem:s3], [sflag:s2] =	dma.local @!p0 [hbm:s0], s1  }
0x86: {  	s0 =	simm.s32 @!p0 $0x2  }
0x87: {  	_ =	swait.ge @!p0 [sflag:s0], s1  }
0x88: {  	s1 =	ssub.s32 @!p0 $0x0, s1;
	[sflag:s0] =	ssyncset.done @!p0 $0x0  }
0x89: {  	[sflag:s0] =	ssyncadd.s32 @!p0 s1  }
0x8a: {  	[bflag:$0x3] =	sbarrier.arrive $0xFFFF  }
0x8b: {  	_ =	shalt  }

// kernel: kernel.7.cloned.1.call-start
scs
__scs_entry_jumppad:
0x0: {  	(pc) =	sbr.rel $0x88, $3  }
0x1: {  	(tag) =	ssettag $0x0;
	lr =	simm.s32 $0x1  }
0x2: {  	[smem:$0x3F99] =	sst lr;
	_ =	strace $0xD0000000  }
0x3: {  	_ = 	snop  }
0x4: {  	_ = 	snop  }
0x5: {  	_ = 	snop  }
0x6: {  	_ = 	snop  }
0x7: {  	_ = 	snop  }
__scs_overlays_trampoline_lowered:
0x8: {  	[smem:$0x3FA8] =	sst s0  }
0x9: {  	[smem:$0x3FA9] =	sst s1  }
0xa: {  	[smem:$0x3FAA] =	sst s2  }
0xb: {  	[smem:$0x3FAB] =	sst s3  }
0xc: {  	[smem:$0x3FAC] =	sst s4  }
0xd: {  	[smem:$0x3FAD] =	sst s5  }
0xe: {  	[smem:$0x3FAE] =	sst s6  }
0xf: {  	[smem:$0x3FAF] =	sst s7  }
0x10: {  	[smem:$0x3FB0] =	sst s8  }
0x11: {  	[smem:$0x3FB1] =	sst s9;
	s0 =	simm.s32 @!p0 $0x0  }
0x12: {  	s1 =	sld [smem:$0x3F97];
	s0 =	simm.s32 @p0 $0x1  }
0x13: {  	[smem:$0x3FB2] =	sst s0;
	s0 =	simm.s32 @!p1 $0x0  }
0x14: {  	s2 =	sld [smem:$0x3F96];
	s0 =	simm.s32 @p1 $0x1  }
0x15: {  	[smem:$0x3FB3] =	sst s0;
	s0 =	simm.s32 @!p2 $0x0  }
0x16: {  	s3 =	sld [smem:$0x3FDB];
	s0 =	simm.s32 @p2 $0x1  }
0x17: {  	s4 =	simm.s32 $0x1BF5;
	[smem:$0x3FB5] =	sst s0  }
0x18: {  	s0 =	sld [smem:$0x3F98];
	_ =	swait.ge [sflag:s4], $0x0  }
0x19: {  	s7 =	sld [smem:$0x3F99]  }
0x1a: {  	s8 =	sadd.s32 $0xFFFFE003, lr  }
0x1b: {  	s9 =	sadd.s32 $0xFFFFFEF7, lr;
	s5 =	simm.s32 $0xFFFFFFFF;
	p2 =	slt.u32 s8, $0xFFFFF086  }
0x1c: {  	p1 =	slt.u32 s9, $0xF7A;
	s5 =	simm.s32 @!p2 $0x0  }
0x1d: {  	s5 =	simm.s32 @p1 $0x1;
	p0 =	seq.s32 s7, s2  }
0x1e: {  	s7 =	smul.u32 @!p0 $0xF7A, s2;
	p2 =	seq.s32 @!p0 s5, $0x0  }
0x1f: {  	s9 =	smul.u32 $0xF7A, s1;
	s8 =	simm.s32 @!p0 $0x1BF5;
	p2 =	por !p2, p0  }
0x20: {  	[sflag:s8] =	ssyncset.s32 @!p0 $0xFFFFF086;
	s6 =	sadd.s32 @!p0 s3, s7;
	s7 =	simm.s32 @!p0 $0x108  }
0x21: {  	s3 =	sadd.s32 s3, s9;
	s6 =	sadd.s32 @!p0 $0x88, s6;
	s7 =	simm.s32 @p2 $0x1082  }
0x22: {  	[simem:s7], [sflag:s8] =	dma.local @!p0 [hbm:s6], $0xF7A  }
0x23: {  	s9 =	sor.u32 $0xD0000000, s2;
	s6 =	simm.s32 $0x108;
	_ =	swait.ge @!p0 [sflag:s8], $0x0  }
0x24: {  	s3 =	sadd.s32 $0x88, s3;
	s6 =	simm.s32 @!p1 $0x1082;
	[sflag:s4] =	ssyncset.s32 $0xFFFFF086  }
0x25: {  	[simem:s6], [sflag:s4] =	dma.local [hbm:s3], $0xF7A  }
0x26: {  	[smem:$0x3F99] =	sst s1;
	(tag) =	ssettag s2;
	_ =	strace s9  }
0x27: {  	s1 =	sld [smem:$0x3FA9]  }
0x28: {  	s2 =	sld [smem:$0x3FAA]  }
0x29: {  	s4 =	sld [smem:$0x3FAC]  }
0x2a: {  	p0 =	seq.s32 s5, $0x0;
	s5 =	sld [smem:$0x3FAD]  }
0x2b: {  	s6 =	sld [smem:$0x3FAE]  }
0x2c: {  	s7 =	sld [smem:$0x3FAF]  }
0x2d: {  	s3 =	simm.s32 $0x108;
	s8 =	sld [smem:$0x3FB0]  }
0x2e: {  	s3 =	simm.s32 @!p0 $0x1082;
	s9 =	sld [smem:$0x3FB1]  }
0x2f: {  	lr =	sadd.s32 s0, s3;
	s0 =	sld [smem:$0x3FA8]  }
0x30: {  	s3 =	sld [smem:$0x3FAB]  }
0x31: {  	[smem:$0x3FB4] =	sst s10  }
0x32: {  	s10 =	sld [smem:$0x3FB2];
	_ =	sdelay $0x3  }
0x33: {  	p0 =	seq.s32 s10, $0x1;
	s10 =	sld [smem:$0x3FB4];
	_ =	sdelay $0x3  }
0x34: {  	[smem:$0x3FB4] =	sst s10  }
0x35: {  	s10 =	sld [smem:$0x3FB3];
	_ =	sdelay $0x3  }
0x36: {  	p1 =	seq.s32 s10, $0x1;
	s10 =	sld [smem:$0x3FB4];
	_ =	sdelay $0x3  }
0x37: {  	[smem:$0x3FB4] =	sst s10  }
0x38: {  	s10 =	sld [smem:$0x3FB5]  }
0x39: {  	_ = 	snop;
	(pc) =	sbr.ind lr, $3  }
0x3a: {  	_ = 	snop  }
0x3b: {  	_ = 	snop  }
0x3c: {  	p2 =	seq.s32 s10, $0x1;
	s10 =	sld [smem:$0x3FB4]  }
0x3d: {  	_ =	shalt  }
0x3e: {  	_ =	shalt  }
0x3f: {  	_ =	shalt  }
0x40: {  	_ =	shalt  }
0x41: {  	_ =	shalt  }
0x42: {  	_ =	shalt  }
0x43: {  	_ =	shalt  }
0x44: {  	_ =	shalt  }
0x45: {  	_ =	shalt  }
0x46: {  	_ =	shalt  }
0x47: {  	_ =	shalt  }
0x48: {  	_ =	shalt  }
0x49: {  	_ =	shalt  }
0x4a: {  	_ =	shalt  }
0x4b: {  	_ =	shalt  }
0x4c: {  	_ =	shalt  }
0x4d: {  	_ =	shalt  }
0x4e: {  	_ =	shalt  }
0x4f: {  	_ =	shalt  }
0x50: {  	_ =	shalt  }
0x51: {  	_ =	shalt  }
0x52: {  	_ =	shalt  }
0x53: {  	_ =	shalt  }
0x54: {  	_ =	shalt  }
0x55: {  	_ =	shalt  }
0x56: {  	_ =	shalt  }
0x57: {  	_ =	shalt  }
0x58: {  	_ =	shalt  }
0x59: {  	_ =	shalt  }
0x5a: {  	_ =	shalt  }
0x5b: {  	_ =	shalt  }
0x5c: {  	_ =	shalt  }
0x5d: {  	_ =	shalt  }
0x5e: {  	_ =	shalt  }
0x5f: {  	_ =	shalt  }
0x60: {  	_ =	shalt  }
0x61: {  	_ =	shalt  }
0x62: {  	_ =	shalt  }
0x63: {  	_ =	shalt  }
0x64: {  	_ =	shalt  }
0x65: {  	_ =	shalt  }
0x66: {  	_ =	shalt  }
0x67: {  	_ =	shalt  }
0x68: {  	_ =	shalt  }
0x69: {  	_ =	shalt  }
0x6a: {  	_ =	shalt  }
0x6b: {  	_ =	shalt  }
0x6c: {  	_ =	shalt  }
0x6d: {  	_ =	shalt  }
0x6e: {  	_ =	shalt  }
0x6f: {  	_ =	shalt  }
0x70: {  	_ =	shalt  }
0x71: {  	_ =	shalt  }
0x72: {  	_ =	shalt  }
0x73: {  	_ =	shalt  }
0x74: {  	_ =	shalt  }
0x75: {  	_ =	shalt  }
0x76: {  	_ =	shalt  }
0x77: {  	_ =	shalt  }
0x78: {  	_ =	shalt  }
0x79: {  	_ =	shalt  }
0x7a: {  	_ =	shalt  }
0x7b: {  	_ =	shalt  }
0x7c: {  	_ =	shalt  }
0x7d: {  	_ =	shalt  }
0x7e: {  	_ =	shalt  }
0x7f: {  	_ =	shalt  }
0x80: {  	_ =	shalt  }
0x81: {  	_ =	shalt  }
0x82: {  	_ =	shalt  }
0x83: {  	_ =	shalt  }
0x84: {  	_ =	shalt  }
0x85: {  	_ =	shalt  }
0x86: {  	_ =	shalt  }
0x87: {  	_ =	shalt  }
.Lfunc_end0:
.L_simem_size_0:
called_computation.2_lowered:
.L_overlay_start_0:
0x88: {  	s2 =	sld [smem:$0x3FD9]  }
0x89: {  	s3 =	sld [smem:$0x3FFE];
	_ =	sdelay $0x1  }
0x8a: {  	s1 =	srdreg.scid  }
0x8b: {  	s0 =	sand.u32 $0x1, s1  }
0x8c: {  	s17 =	sshll.u32 s0, $0xA;
	s2 =	sadd.s32 s3, s2  }
0x8d: {  	s2 =	sadd.s32 s2, s17  }
0x8e: {  	[smem:$0x3FC0] =	sst s2  }
0x8f: {  	_ = 	snop  }
0x90: {  	s18 =	sld [smem:$0x3FC9];
	(tm) =	ssettm $0x1  }
0x91: {  	s19 =	sld [smem:$0x3FFB];
	_ =	sdelay $0x3  }
0x92: {  	_ =	strace s19  }
0x93: {  	s2 =	sld [smem:$0x3FFC];
	_ =	sdelay $0x3  }
0x94: {  	_ =	strace s2  }
0x95: {  	s2 =	sld [smem:$0x3FFD];
	_ =	sdelay $0x3  }
0x96: {  	_ =	strace s2  }
0x97: {  	_ =	strace $0x8FFFFFFF  }
0x98: {  	s20 =	sld [smem:$0x3FDB];
	_ =	sdelay $0x1  }
0x99: {  	s4 =	simm.s32 $_scs_section_size  }
0x9a: {  	s5 =	simm.s32 $_size__tile_overlayer_lowered;
	s6 =	simm.s32 $_tile_overlayer_lowered  }
0x9b: {  	s7 =	simm.s32 $0x1BFF;
	s21 =	sshll.u32 s6, $0x1;
	s4 =	sadd.s32 s4, s20  }
0x9c: {  	s22 =	simm.s32 $0x0;
	s5 =	sshll.u32 s5, $0x1;
	s6 =	sadd.s32 s21, s4  }
0x9d: {  	[timem:s22], [sflag:s7] =	dma.local [hbm:s6], s5  }
0x9e: {  	_ =	swait.ge [sflag:s7], s5  }
0x9f: {  	s5 =	ssub.s32 $0x0, s5;
	[sflag:s7] =	ssyncset.done $0x0  }
0xa0: {  	[sflag:s7] =	ssyncadd.s32 s5;
	_ =	sdelay $0x1  }
0xa1: {  	s23 =	simm.s32 $0x1B8B  }
0xa2: {  	_ =	swait.ge [sflag:s23], $0x1  }
0xa3: {  	[sflag:s23] =	ssyncset.done $0x0  }
0xa4: {  	[sflag:s23] =	ssyncadd.s32 $0xFFFFFFFF  }
0xa5: {  	s5 =	sld [smem:$0x0]  }
0xa6: {  	s6 =	sand.u32 $0xFFFFFFFE, s1  }
0xa7: {  	p0 =	sne.s32 s1, s6  }
0xa8: {  	s6 =	sshll.u32 @p0 s6, $0xE  }
0xa9: {  	s6 =	sadd.s32 @p0 $0x11B8D, s6;
	s7 =	sshll.u32 @p0 s5, $0x11  }
0xaa: {  	s6 =	sor.u32 @p0 s7, s6  }
0xab: {  	[sflag:s6] =	ssyncadd.remote.s32 @p0 $0x1;
	_ =	sdelay $0x1  }
0xac: {  	s6 =	simm.s32 @p0 $0x1B8D  }
0xad: {  	_ =	swait.eq @p0 [sflag:s6], $0x1  }
0xae: {  	[sflag:s6] =	ssyncadd.s32 @p0 $0xFFFFFFFF  }
0xaf: {  	s7 =	sshll.u32 @!p0 s1, $0xE  }
0xb0: {  	s7 =	sor.u32 @!p0 $0x4000, s7;
	s6 =	simm.s32 @!p0 $0x1B8D  }
0xb1: {  	s5 =	sshll.u32 @!p0 s5, $0x11;
	s7 =	sadd.s32 @!p0 $0x11B8D, s7;
	_ =	swait.eq @!p0 [sflag:s6], $0x1  }
0xb2: {  	s5 =	sor.u32 @!p0 s5, s7;
	[sflag:s6] =	ssyncadd.s32 @!p0 $0xFFFFFFFF  }
0xb3: {  	s25 =	simm.s32 $0x1B8E;
	s24 =	sld [smem:$0x3FFE];
	[sflag:s5] =	ssyncadd.remote.s32 @!p0 $0x1  }
0xb4: {  	s26 =	simm.s32 $execute0_lowered;
	[smem:$0x3FD2] =	sst s25  }
0xb5: {  	s6 =	sshll.u32 s26, $0x1;
	_ =	strace $0x8000004C;
	[dreg:$0x1] =	wrdreg $0xFFFFFFFF  }
0xb6: {  	s28 =	simm.s32 $_size_execute0_lowered;
	s4 =	sadd.s32 s4, s6;
	[dreg:$0x0] =	wrdreg $0x0  }
0xb7: {  	s6 =	sshll.u32 s28, $0x1;
	[dreg:$0x2] =	wrdreg s4  }
0xb8: {  	[dreg:$0x3] =	wrdreg s6  }
0xb9: {  	[dreg:$0x4] =	wrdreg $0xC0  }
0xba: {  	_ =	task [dreg:s22], $0x5FFFF  }
0xbb: {  	[dreg:$0x1] =	wrdreg $0xFFFFFFFF  }
0xbc: {  	[dreg:$0x0] =	wrdreg $0x60  }
0xbd: {  	[dreg:$0x2] =	wrdreg s18  }
0xbe: {  	[dreg:$0x3] =	wrdreg s24  }
0xbf: {  	[dreg:$0x4] =	wrdreg $0xB  }
0xc0: {  	_ =	task.clear_ibuf [dreg:s22], $0x5FFFF;
	_ =	strace $0x9000004C  }
0xc1: {  	s29 =	simm.s32 $0xB;
	_ =	strace $0x8000004E  }
0xc2: {  	_ =	swait.ge [sflag:s29], $0x1  }
0xc3: {  	[sflag:s29] =	ssyncadd.s32 $0xFFFFFFFF  }
0xc4: {  	_ =	strace $0x9000004E  }
0xc5: {  	_ =	sfence  }
0xc6: {  	s30 =	sld [smem:$0x0];
	_ =	sdelay $0x2  }
0xc7: {  	s31 =	sshll.u32 s1, $0xD;
	s1 =	sshrl.u32 s1, $0x2  }
0xc8: {  	s4 =	sand.u32 $0x4000, s31;
	s1 =	sadd.s32 s1, s30  }
0xc9: {  	s0 =	sor.u32 s4, s0;
	s1 =	sshll.u32 s1, $0x11  }
0xca: {  	s0 =	sor.u32 s1, s0  }
0xcb: {  	s0 =	sadd.s32 $0x8F2B, s0  }
0xcc: {  	[sflag:s0] =	ssyncadd.remote.s32 $0x1  }
0xcd: {  	_ =	sfence.sel $0xFFFF  }
0xce: {  	[dreg:$0x0] =	wrdreg $0xFFFFFFFF;
	(pc) =	sbr.abs _section_cstart, $3  }
0xcf: {  	[dreg:$0x1] =	wrdreg $0xFFFFFFFF  }
0xd0: {  	_ =	task.clear_ibuf [dreg:s22], $0x2FFFF;
	_ =	strace $0x9FFFFFFF  }
0xd1: {  	(tm) =	ssettm $0x7FFFFFFF  }
tec
execute0_lowered:
.L_overlay_start_1:
0x0: {  	(tag) =	ssettag $0x1  }
0x1: {  	s1 =	srdreg.scid  }
0x2: {  	s0 =	stileid.u32;
	s2 =	rddreg [dreg:$0x0]  }
0x3: {  	s5 =	rddreg [dreg:$0x1];
	s18 =	simm.s32 $0x880;
	s19 =	simm.s32 $0x1080  }
0x4: {  	s20 =	simm.s32 $0x1880;
	s22 =	simm.s32 $0x2080;
	s23 =	simm.s32 $0x2880  }
0x5: {  	s24 =	simm.s32 $0x3080;
	s7 =	simm.s32 $0x3880;
	s8 =	simm.s32 $0x4080  }
0x6: {  	s25 =	simm.s32 $0x4880;
	s26 =	simm.s32 $0x5080;
	s1 =	sand.u32 $0x1, s1  }
0x7: {  	s9 =	simm.s32 $0x80;
	s3 =	sshll.u32 s0, $0x7;
	s4 =	sshll.u32 s1, $0x6  }
0x8: {  	s11 =	simm.s32 $0x6080;
	s4 =	sor.u32 s4, s3;
	s3 =	simm.s32 $0x0  }
0x9: {  	s12 =	simm.s32 $0x6880;
	s13 =	simm.s32 $0x7080;
	[smem:$0x7FF] =	sst s3  }
0xa: {  	s14 =	simm.s32 $0x7880;
	_ =	strace $0x8000004D;
	[dreg:$0x5] =	wrdreg s18  }
0xb: {  	s15 =	simm.s32 $0x8080;
	s16 =	simm.s32 $0x8880;
	[dreg:$0x6] =	wrdreg s19  }
0xc: {  	s28 =	simm.s32 $0xE080;
	s29 =	simm.s32 $0xE880;
	[dreg:$0x7] =	wrdreg s20  }
0xd: {  	s30 =	simm.s32 $0xF080;
	s1 =	ssub.s32 $0x2, s1;
	[dreg:$0x8] =	wrdreg s22  }
0xe: {  	s31 =	simm.s32 $0xF880;
	s21 =	sshrl.u32 s1, $0x1;
	[dreg:$0x9] =	wrdreg s23  }
0xf: {  	s6 =	sshrl.u32 s4, $0x3;
	s4 =	sshll.u32 s4, $0x7;
	[dreg:$0xa] =	wrdreg s24  }
0x10: {  	s1 =	ssub.s32 s1, s21;
	s21 =	simm.s32 $0xB080;
	[dreg:$0xb] =	wrdreg s7  }
0x11: {  	s6 =	sadd.s32 s6, s5;
	s4 =	sadd.s32 s4, s5;
	[dreg:$0xc] =	wrdreg s8  }
0x12: {  	s5 =	sadd.s32 $0x200, s2;
	s7 =	smax.u32 s1, $0x1;
	[dreg:$0xd] =	wrdreg s25  }
0x13: {  	s8 =	simm.s32 $0x2;
	[dreg:$0xe] =	wrdreg s26;
	s18 =	simm.s32 $0x9880  }
0x14: {  	s19 =	simm.s32 $0xA080;
	s20 =	simm.s32 $0xA880;
	s22 =	simm.s32 $0xB880  }
0x15: {  	s23 =	simm.s32 $0xC080;
	s24 =	simm.s32 $0xC880;
	s25 =	simm.s32 $0xD080  }
0x16: {  	v2 =	vlaneseq.u32;
	s26 =	simm.s32 $0xD880;
	s1 =	simm.s32 $0x1;
	s17 =	sadd.s32 $0xA00, s6  }
0x17: {  	vm0 =	vmmov $0xffff;
	v1 =	vshrl.u32 v2, $0x3;
	s4 =	sadd.s32 $0x1200, s4;
	s6 =	sadd.s32 $0x300, s2;
	[dreg:$0x3] =	wrdreg s17  }
0x18: {  	v0 =	vand.u32 $0x7, v2;
	v2 =	vor.u32 $0x8, v2;
	v1 =	vmul.u32 $0x8, v1;
	[dreg:$0x4] =	wrdreg s4;
	s4 =	sadd.s32 $0x100, s2;
	s17 =	simm.s32 $0x9080  }
.LBB2_1:
0x19: {  	s0 =	rddreg [dreg:$0x3]  }
0x1a: {  	[tilespmem:s3], [sflag:$0x2] =	stream.linear.gather [hbm4b:s0+s3], $0x40, $0x38;
	[tilespmem:$0x10080] =	vst v63  }
0x1b: {  	_ =	swait.ge [sflag:s8], $0x40  }
0x1c: {  	[sflag:s8] =	ssyncset.done $0x0  }
0x1d: {  	[sflag:s8] =	ssyncadd.s32 $0xFFFFFFC0  }
0x1e: {  	v3 =	vld [tilespmem:$0x0];
	_ =	sdelay $0x4  }
0x1f: {  	v4 =	vshll.u32 v3, $0x3  }
0x20: {  	v3 =	vand.u32 $0x7, v3;
	v4 =	vand.u32 $0xFFFFFFC0, v4  }
0x21: {  	v3 =	vor.u32 v3, v4  }
0x22: {  	v4 =	vperm.xlane v3, v0;
	_ =	sdelay $0x1  }
0x23: {  	v4 =	vadd.s32 v1, v4;
	_ =	sdelay $0x4  }
0x24: {  	[tilespmem:s9], [sflag:$0x1] =	stream.indirect_vreg.gather [hbm4b:s2+s3], $0x80, v4, vm0, $0xb8;
	[tilespmem:$0x10080] =	vst v63  }
0x25: {  	s0 =	rddreg [dreg:$0x5];
	v3 =	vperm.xlane v3, v2  }
0x26: {  	[tilespmem:s0], [sflag:$0x1] =	stream.indirect_vreg.gather [hbm4b:s4+s3], $0x80, v4, vm0, $0xb8;
	[tilespmem:$0x10080] =	vst v63  }
0x27: {  	s10 =	rddreg [dreg:$0x6];
	v3 =	vadd.s32 v1, v3  }
0x28: {  	[tilespmem:s10], [sflag:$0x1] =	stream.indirect_vreg.gather [hbm4b:s5+s3], $0x80, v4, vm0, $0xb8;
	[tilespmem:$0x10080] =	vst v63  }
0x29: {  	s0 =	rddreg [dreg:$0x7]  }
0x2a: {  	[tilespmem:s0], [sflag:$0x1] =	stream.indirect_vreg.gather [hbm4b:s6+s3], $0x80, v4, vm0, $0xb8;
	[tilespmem:$0x10080] =	vst v63  }
0x2b: {  	s10 =	rddreg [dreg:$0x8]  }
0x2c: {  	[tilespmem:s10], [sflag:$0x1] =	stream.indirect_vreg.gather [hbm4b:s2+s3], $0x80, v3, vm0, $0xb8;
	[tilespmem:$0x10080] =	vst v63  }
0x2d: {  	s0 =	rddreg [dreg:$0x9]  }
0x2e: {  	[tilespmem:s0], [sflag:$0x1] =	stream.indirect_vreg.gather [hbm4b:s4+s3], $0x80, v3, vm0, $0xb8;
	[tilespmem:$0x10080] =	vst v63  }
0x2f: {  	s10 =	rddreg [dreg:$0xa]  }
0x30: {  	[tilespmem:s10], [sflag:$0x1] =	stream.indirect_vreg.gather [hbm4b:s5+s3], $0x80, v3, vm0, $0xb8;
	[tilespmem:$0x10080] =	vst v63  }
0x31: {  	s0 =	rddreg [dreg:$0xb]  }
0x32: {  	[tilespmem:s0], [sflag:$0x1] =	stream.indirect_vreg.gather [hbm4b:s6+s3], $0x80, v3, vm0, $0xb8;
	[tilespmem:$0x10080] =	vst v63  }
0x33: {  	v3 =	vld [tilespmem:$0x10];
	_ =	sdelay $0x4  }
0x34: {  	v61 =	vshll.u32 v3, $0x3  }
0x35: {  	v3 =	vand.u32 $0x7, v3;
	v4 =	vand.u32 $0xFFFFFFC0, v61  }
0x36: {  	v3 =	vor.u32 v3, v4  }
0x37: {  	v4 =	vperm.xlane v3, v0;
	_ =	sdelay $0x1  }
0x38: {  	v4 =	vadd.s32 v1, v4;
	_ =	sdelay $0x3  }
0x39: {  	s0 =	rddreg [dreg:$0xc]  }
0x3a: {  	[tilespmem:s0], [sflag:$0x1] =	stream.indirect_vreg.gather [hbm4b:s2+s3], $0x80, v4, vm0, $0xb8;
	[tilespmem:$0x10080] =	vst v63  }
0x3b: {  	s10 =	rddreg [dreg:$0xd];
	v3 =	vperm.xlane v3, v2  }
0x3c: {  	[tilespmem:s10], [sflag:$0x1] =	stream.indirect_vreg.gather [hbm4b:s4+s3], $0x80, v4, vm0, $0xb8;
	[tilespmem:$0x10080] =	vst v63  }
0x3d: {  	v3 =	vadd.s32 v1, v3;
	s0 =	rddreg [dreg:$0xe]  }
0x3e: {  	[tilespmem:s0], [sflag:$0x1] =	stream.indirect_vreg.gather [hbm4b:s5+s3], $0x80, v4, vm0, $0xb8;
	[tilespmem:$0x10080] =	vst v63  }
0x3f: {  	s10 =	simm.s32 $0x5880  }
0x40: {  	[tilespmem:s10], [sflag:$0x1] =	stream.indirect_vreg.gather [hbm4b:s6+s3], $0x80, v4, vm0, $0xb8;
	[tilespmem:$0x10080] =	vst v63  }
0x41: {  	_ = 	snop  }
0x42: {  	[tilespmem:s11], [sflag:$0x1] =	stream.indirect_vreg.gather [hbm4b:s2+s3], $0x80, v3, vm0, $0xb8;
	[tilespmem:$0x10080] =	vst v63  }
0x43: {  	_ = 	snop  }
0x44: {  	[tilespmem:s12], [sflag:$0x1] =	stream.indirect_vreg.gather [hbm4b:s4+s3], $0x80, v3, vm0, $0xb8;
	[tilespmem:$0x10080] =	vst v63  }
0x45: {  	_ = 	snop  }
0x46: {  	[tilespmem:s13], [sflag:$0x1] =	stream.indirect_vreg.gather [hbm4b:s5+s3], $0x80, v3, vm0, $0xb8;
	[tilespmem:$0x10080] =	vst v63  }
0x47: {  	_ = 	snop  }
0x48: {  	[tilespmem:s14], [sflag:$0x1] =	stream.indirect_vreg.gather [hbm4b:s6+s3], $0x80, v3, vm0, $0xb8;
	[tilespmem:$0x10080] =	vst v63  }
0x49: {  	v3 =	vld [tilespmem:$0x20];
	_ =	sdelay $0x4  }
0x4a: {  	v62 =	vshll.u32 v3, $0x3  }
0x4b: {  	v3 =	vand.u32 $0x7, v3;
	v4 =	vand.u32 $0xFFFFFFC0, v62  }
0x4c: {  	v3 =	vor.u32 v3, v4  }
0x4d: {  	v4 =	vperm.xlane v3, v0;
	_ =	sdelay $0x1  }
0x4e: {  	v4 =	vadd.s32 v1, v4;
	_ =	sdelay $0x4  }
0x4f: {  	[tilespmem:s15], [sflag:$0x1] =	stream.indirect_vreg.gather [hbm4b:s2+s3], $0x80, v4, vm0, $0xb8;
	[tilespmem:$0x10080] =	vst v63  }
0x50: {  	v3 =	vperm.xlane v3, v2  }
0x51: {  	[tilespmem:s16], [sflag:$0x1] =	stream.indirect_vreg.gather [hbm4b:s4+s3], $0x80, v4, vm0, $0xb8;
	[tilespmem:$0x10080] =	vst v63  }
0x52: {  	v3 =	vadd.s32 v1, v3  }
0x53: {  	[tilespmem:s17], [sflag:$0x1] =	stream.indirect_vreg.gather [hbm4b:s5+s3], $0x80, v4, vm0, $0xb8;
	[tilespmem:$0x10080] =	vst v63  }
0x54: {  	_ = 	snop  }
0x55: {  	[tilespmem:s18], [sflag:$0x1] =	stream.indirect_vreg.gather [hbm4b:s6+s3], $0x80, v4, vm0, $0xb8;
	[tilespmem:$0x10080] =	vst v63  }
0x56: {  	_ = 	snop  }
0x57: {  	[tilespmem:s19], [sflag:$0x1] =	stream.indirect_vreg.gather [hbm4b:s2+s3], $0x80, v3, vm0, $0xb8;
	[tilespmem:$0x10080] =	vst v63  }
0x58: {  	_ = 	snop  }
0x59: {  	[tilespmem:s20], [sflag:$0x1] =	stream.indirect_vreg.gather [hbm4b:s4+s3], $0x80, v3, vm0, $0xb8;
	[tilespmem:$0x10080] =	vst v63  }
0x5a: {  	_ = 	snop  }
0x5b: {  	[tilespmem:s21], [sflag:$0x1] =	stream.indirect_vreg.gather [hbm4b:s5+s3], $0x80, v3, vm0, $0xb8;
	[tilespmem:$0x10080] =	vst v63  }
0x5c: {  	_ = 	snop  }
0x5d: {  	[tilespmem:s22], [sflag:$0x1] =	stream.indirect_vreg.gather [hbm4b:s6+s3], $0x80, v3, vm0, $0xb8;
	[tilespmem:$0x10080] =	vst v63  }
0x5e: {  	v3 =	vld [tilespmem:$0x30];
	_ =	sdelay $0x4  }
0x5f: {  	v63 =	vshll.u32 v3, $0x3  }
0x60: {  	v3 =	vand.u32 $0x7, v3;
	v4 =	vand.u32 $0xFFFFFFC0, v63  }
0x61: {  	v3 =	vor.u32 v3, v4  }
0x62: {  	v4 =	vperm.xlane v3, v0;
	_ =	sdelay $0x1  }
0x63: {  	v4 =	vadd.s32 v1, v4;
	_ =	sdelay $0x4  }
0x64: {  	[tilespmem:s23], [sflag:$0x1] =	stream.indirect_vreg.gather [hbm4b:s2+s3], $0x80, v4, vm0, $0xb8;
	[tilespmem:$0x10080] =	vst v63  }
0x65: {  	v3 =	vperm.xlane v3, v2  }
0x66: {  	[tilespmem:s24], [sflag:$0x1] =	stream.indirect_vreg.gather [hbm4b:s4+s3], $0x80, v4, vm0, $0xb8;
	[tilespmem:$0x10080] =	vst v63  }
0x67: {  	v3 =	vadd.s32 v1, v3  }
0x68: {  	[tilespmem:s25], [sflag:$0x1] =	stream.indirect_vreg.gather [hbm4b:s5+s3], $0x80, v4, vm0, $0xb8;
	[tilespmem:$0x10080] =	vst v63  }
0x69: {  	_ = 	snop  }
0x6a: {  	[tilespmem:s26], [sflag:$0x1] =	stream.indirect_vreg.gather [hbm4b:s6+s3], $0x80, v4, vm0, $0xb8;
	[tilespmem:$0x10080] =	vst v63  }
0x6b: {  	_ = 	snop  }
0x6c: {  	[tilespmem:s28], [sflag:$0x1] =	stream.indirect_vreg.gather [hbm4b:s2+s3], $0x80, v3, vm0, $0xb8;
	[tilespmem:$0x10080] =	vst v63  }
0x6d: {  	_ = 	snop  }
0x6e: {  	[tilespmem:s29], [sflag:$0x1] =	stream.indirect_vreg.gather [hbm4b:s4+s3], $0x80, v3, vm0, $0xb8;
	[tilespmem:$0x10080] =	vst v63  }
0x6f: {  	_ = 	snop  }
0x70: {  	[tilespmem:s30], [sflag:$0x1] =	stream.indirect_vreg.gather [hbm4b:s5+s3], $0x80, v3, vm0, $0xb8;
	[tilespmem:$0x10080] =	vst v63  }
0x71: {  	_ = 	snop  }
0x72: {  	[tilespmem:s31], [sflag:$0x1] =	stream.indirect_vreg.gather [hbm4b:s6+s3], $0x80, v3, vm0, $0xb8;
	[tilespmem:$0x10080] =	vst v63  }
0x73: {  	_ =	swait.ge [sflag:s1], $0x10000  }
0x74: {  	p0 =	sne.s32 s7, $0x1;
	[sflag:s1] =	ssyncset.done $0x0  }
.Ltmp0:
0x75: {  	s10 =	rddreg [dreg:$0x4];
	[sflag:s1] =	ssyncadd.s32 $0xFFFF0000;
	(pc) =	sbr.rel @p0 .LBB2_1-.Ltmp0, $4  }
0x76: {  	[hbm4b:s10+s3] =	stream.linear.scatter [tilespmem:s9], [sflag:$0x2], $0x10000, $0x38;
	[tilespmem:$0x10080] =	vst v63  }
0x77: {  	_ =	swait.ge [sflag:s8], $0x10000  }
0x78: {  	[sflag:s8] =	ssyncset.done $0x0  }
0x79: {  	s7 =	sadd.s32 $0xFFFFFFFF, s7;
	[sflag:s8] =	ssyncadd.s32 $0xFFFF0000  }
0x7a: {  	_ =	sfence.sel $0x180000  }
0x7b: {  	[bflag:$0x0] =	sbarrier.arrive $0xFFFF  }
0x7c: {  	_ =	strace $0x9000004D  }
0x7d: {  	s0 =	stileid.u32;
	[bflag:$0x2] =	sbarrier.arrive $0xFFFF  }
0x7e: {  	p0 =	sne.s32 s0, $0x0;
	s0 =	rddreg [dreg:$0x2]  }
0x7f: {  	s0 =	sadd.s32 @!p0 $0x100000, s0  }
0x80: {  	[sflag:s0] =	ssyncadd.tile.s32 @!p0 $0x1;
	_ =	shalt  }
.Lfunc_end2:
_tile_overlayer_lowered:
.L_overlay_start_2:
0x81: {  	(tag) =	ssettag $0x2  }
0x82: {  	s0 =	rddreg [dreg:$0x0];
	s2 =	stileid.u32  }
0x83: {  	s1 =	rddreg [dreg:$0x1];
	p0 =	sne.s32 s2, $0x0  }
0x84: {  	s3 =	rddreg [dreg:$0x2];
	[bflag:$0x3] =	sbarrier.arrive $0xFFFF;
	s2 =	simm.s32 @!p0 $0x1C02  }
0x85: {  	[timem:s3], [sflag:s2] =	dma.local @!p0 [hbm:s0], s1  }
0x86: {  	s0 =	simm.s32 @!p0 $0x2  }
0x87: {  	_ =	swait.ge @!p0 [sflag:s0], s1  }
0x88: {  	s1 =	ssub.s32 @!p0 $0x0, s1;
	[sflag:s0] =	ssyncset.done @!p0 $0x0  }
0x89: {  	[sflag:s0] =	ssyncadd.s32 @!p0 s1  }
0x8a: {  	[bflag:$0x3] =	sbarrier.arrive $0xFFFF  }
0x8b: {  	_ =	shalt  }

</sc_bundles>
